<compile_context>
chip_gen: v7x
topology: tpu7x:2x2x1
jax: 0.10.2.dev20260603
libtpu: 0.0.44.dev20260713+nightly
codegen_flags: <defaults>
</compile_context>

<pallas_src>
import functools

import jax
import jax.numpy as jnp
from jax import lax
from jax.experimental import pallas as pl
from jax.experimental.pallas import tpu as pltpu
from jax.experimental.pallas import tpu_sc as plsc

N_NODES = 10000
D = 128
E = 320000
NC, NS, L = 2, 16, 16
NW = NC * NS
EPT = E // NW
K = 80
NCHUNK = EPT // K
NPAD = 10240
RPW = NPAD // NS


def _rn_body(x_ref, rn_ref):
    x = x_ref[...]
    nrm = jnp.sqrt(jnp.sum(x * x, axis=1, keepdims=True))
    rn_ref[...] = 1.0 / jnp.maximum(nrm, 1e-12)


def _sc_agg_body(x_hbm, row_hbm, col_hbm, rn_hbm, aggr_hbm, s_hbm,
                 idxr0, idxr1, idxc0, idxc1, ra0, ra1, rb0, rb1,
                 rnr0, rnr1, rnc0, rnc1, sidx0, sidx1,
                 svec, aggr_sh, semi0, semi1, semg0, semg1, sems0, sems1):
    cid = lax.axis_index("c")
    sid = lax.axis_index("s")
    w = cid * NS + sid

    zv = jnp.zeros((L,), jnp.float32)

    def zrow(j, _):
        for k in range(D // L):
            rb0[j, pl.ds(k * L, L)] = zv
        return _

    lax.fori_loop(0, K, zrow, jnp.int32(0))
    for q in range(RPW // K):
        pltpu.sync_copy(rb0, aggr_sh.at[pl.ds(sid * RPW + q * K, K)])
    plsc.subcore_barrier()

    ebase = w * EPT
    idxr = (idxr0, idxr1)
    idxc = (idxc0, idxc1)
    ra = (ra0, ra1)
    rb = (rb0, rb1)
    rnr_g = (rnr0, rnr1)
    rnc_g = (rnc0, rnc1)
    sidx = (sidx0, sidx1)
    semi = (semi0, semi1)
    semg = (semg0, semg1)
    sems = (sems0, sems1)

    def issue_idx(c, p):
        eb = ebase + c * K
        pltpu.async_copy(row_hbm.at[pl.ds(eb, K)], idxr[p], semi[p])
        pltpu.async_copy(col_hbm.at[pl.ds(eb, K)], idxc[p], semi[p])

    def wait_idx(p):
        pltpu.make_async_copy(row_hbm.at[pl.ds(0, K)], idxr[p], semi[p]).wait()
        pltpu.make_async_copy(col_hbm.at[pl.ds(0, K)], idxc[p], semi[p]).wait()

    def issue_gather(p):
        pltpu.async_copy(x_hbm.at[idxr[p]], ra[p], semg[p])
        pltpu.async_copy(x_hbm.at[idxc[p]], rb[p], semg[p])
        pltpu.async_copy(rn_hbm.at[idxr[p]], rnr_g[p], semg[p])
        pltpu.async_copy(rn_hbm.at[idxc[p]], rnc_g[p], semg[p])

    def wait_gather(p):
        pltpu.make_async_copy(x_hbm.at[idxr[p]], ra[p], semg[p]).wait()
        pltpu.make_async_copy(x_hbm.at[idxc[p]], rb[p], semg[p]).wait()
        pltpu.make_async_copy(rn_hbm.at[idxr[p]], rnr_g[p], semg[p]).wait()
        pltpu.make_async_copy(rn_hbm.at[idxc[p]], rnc_g[p], semg[p]).wait()

    lane0 = lax.iota(jnp.int32, L) == 0
    zerov = jnp.zeros((L,), jnp.float32)

    def chunk_compute(p, s_acc):
        rows_a, rows_b = ra[p], rb[p]
        idxr_v = idxr[p]
        rnr_v, rnc_v = rnr_g[p], rnc_g[p]

        def edge_body(j, s_in):
            jf = jnp.full((L,), j, jnp.int32)
            av = [rows_a[j, pl.ds(k * L, L)] for k in range(D // L)]
            bv = [rows_b[j, pl.ds(k * L, L)] for k in range(D // L)]
            ps = [a * b for a, b in zip(av, bv)]
            t = (((ps[0] + ps[1]) + (ps[2] + ps[3]))
                 + ((ps[4] + ps[5]) + (ps[6] + ps[7])))
            dot_s = jnp.sum(t)
            rnrv = plsc.load_gather(rnr_v, [jf])
            rncv = plsc.load_gather(rnc_v, [jf])
            coeffv = jnp.exp(jnp.full((L,), dot_s) * rnrv * rncv - 1.0)
            for k in range(D // L):
                rows_b[j, pl.ds(k * L, L)] = bv[k] * coeffv
            return s_in + jnp.where(lane0, coeffv, zerov)

        s_acc = plsc.parallel_loop(0, K, carry=s_acc)(edge_body)
        for q in range(K // L):
            sidx[p][pl.ds(q * L, L)] = idxr_v[pl.ds(q * L, L)]
        pltpu.async_copy(rows_b, aggr_sh.at[sidx[p]], sems[p], add=True)
        return s_acc

    def wait_scatter(p):
        pltpu.make_async_copy(rb[p], aggr_sh.at[sidx[p]], sems[p]).wait()

    issue_idx(0, 0)
    issue_idx(1, 1)
    wait_idx(0)
    issue_gather(0)

    def outer(t, s_acc):
        c0 = t * 2
        wait_gather(0)

        @pl.when(c0 > 0)
        def _():
            wait_scatter(1)

        wait_idx(1)
        issue_gather(1)
        s_acc = chunk_compute(0, s_acc)

        @pl.when(c0 + 2 < NCHUNK)
        def _():
            issue_idx(c0 + 2, 0)

        wait_gather(1)

        @pl.when(c0 + 2 < NCHUNK)
        def _():
            wait_scatter(0)
            wait_idx(0)
            issue_gather(0)

        s_acc = chunk_compute(1, s_acc)

        @pl.when(c0 + 3 < NCHUNK)
        def _():
            issue_idx(c0 + 3, 1)

        return s_acc

    s_acc = lax.fori_loop(0, (NCHUNK - 1) // 2, outer,
                          jnp.zeros((L,), jnp.float32))
    wait_gather(0)
    s_acc = chunk_compute(0, s_acc)
    wait_scatter(0)
    wait_scatter(1)
    svec[...] = s_acc
    pltpu.sync_copy(svec, s_hbm.at[w])
    plsc.subcore_barrier()
    pltpu.sync_copy(aggr_sh.at[pl.ds(sid * RPW, RPW)],
                    aggr_hbm.at[pl.ds(cid * NPAD + sid * RPW, RPW)])


_sc_agg = functools.partial(
    pl.kernel,
    out_type=[jax.ShapeDtypeStruct((NC * NPAD, D), jnp.float32),
              jax.ShapeDtypeStruct((NW, L), jnp.float32)],
    mesh=plsc.VectorSubcoreMesh(core_axis_name="c", subcore_axis_name="s"),
    compiler_params=pltpu.CompilerParams(needs_layout_passes=False),
    scratch_types=[
        pltpu.VMEM((K,), jnp.int32),
        pltpu.VMEM((K,), jnp.int32),
        pltpu.VMEM((K,), jnp.int32),
        pltpu.VMEM((K,), jnp.int32),
        pltpu.VMEM((K, D), jnp.float32),
        pltpu.VMEM((K, D), jnp.float32),
        pltpu.VMEM((K, D), jnp.float32),
        pltpu.VMEM((K, D), jnp.float32),
        pltpu.VMEM((K,), jnp.float32),
        pltpu.VMEM((K,), jnp.float32),
        pltpu.VMEM((K,), jnp.float32),
        pltpu.VMEM((K,), jnp.float32),
        pltpu.VMEM((K,), jnp.int32),
        pltpu.VMEM((K,), jnp.int32),
        pltpu.VMEM((L,), jnp.float32),
        pltpu.VMEM_SHARED((NPAD, D), jnp.float32),
        pltpu.SemaphoreType.DMA,
        pltpu.SemaphoreType.DMA,
        pltpu.SemaphoreType.DMA,
        pltpu.SemaphoreType.DMA,
        pltpu.SemaphoreType.DMA,
        pltpu.SemaphoreType.DMA,
    ],
)(_sc_agg_body)


def _post_body(a_ref, s_ref, x_ref, w_ref, b_ref, o_ref):
    a = a_ref[:N_NODES, :] + a_ref[NPAD:NPAD + N_NODES, :]
    s_total = jnp.sum(s_ref[...])
    m = lax.dot_general(a, w_ref[...], (((1,), (1,)), ((), ())),
                        preferred_element_type=jnp.float32)
    o_ref[...] = m * (1.0 / s_total) + b_ref[...] + x_ref[...]


def kernel(x, edge_index, W, b):
    row = edge_index[0]
    col = edge_index[1]
    rn = pl.pallas_call(
        _rn_body,
        out_shape=jax.ShapeDtypeStruct((N_NODES, 1), jnp.float32),
    )(x)
    aggr2, s_parts = _sc_agg(x, row, col, rn.reshape(N_NODES))
    out = pl.pallas_call(
        _post_body,
        out_shape=jax.ShapeDtypeStruct((N_NODES, D), jnp.float32),
    )(aggr2, s_parts, x, W, b.reshape(1, D))
    return out

# --- scband reference (transcript-rebuilt; emitter-appended) ---
"""Pipeline reference for scband-gcnconv-65695819760049 (READ-ONLY COPY).

The authoritative reference and input builder live on the scoring server;
editing this copy changes nothing except your own understanding.
"""

import jax, jax.numpy as jnp
import numpy as np

N_NODES = 10000
D_FEAT = 128
N_EDGES = 320000


def setup_inputs(seed: int = 0) -> dict:
    key = jax.random.key(seed)
    k1, k2, k3, k4 = jax.random.split(key, 4)
    x = jax.random.normal(k1, (N_NODES, D_FEAT), dtype=jnp.float32)
    edge_index = jax.random.randint(k2, (2, N_EDGES), 0, N_NODES)
    # Linear(in_channels=128, out_channels=128): W [out, in], b [out]
    bound = 1.0 / np.sqrt(D_FEAT)
    W = jax.random.uniform(k3, (D_FEAT, D_FEAT), dtype=jnp.float32, minval=-bound, maxval=bound)
    b = jax.random.uniform(k4, (D_FEAT,), dtype=jnp.float32, minval=-bound, maxval=bound)
    return {"x": x, "edge_index": edge_index, "W": W, "b": b}


def reference(x, edge_index, W, b):
    # eval mode: dropout is identity (dropout=0.0)
    row = edge_index[0]
    col = edge_index[1]
    # F.normalize(x, p=2, dim=1)
    norm = jnp.linalg.norm(x, axis=1, keepdims=True)
    x_norm = x / jnp.maximum(norm, 1e-12)
    # edge weights: cosine-like similarity per edge, softmax over ALL edges (dim=0)
    edge_weights = jnp.sum(x_norm[row] * x_norm[col], axis=1, keepdims=True)
    edge_weights = jax.nn.softmax(edge_weights, axis=0)
    # gather source features, scale, scatter-add into destination rows
    weighted_features = x[col] * edge_weights
    aggr_features = jnp.zeros((x.shape[0], x.shape[1]), dtype=x.dtype).at[row].add(weighted_features)
    # linear + residual
    out = aggr_features @ W.T + b + x
    return out

if __name__ == "__main__":
    import jax
    _d = setup_inputs()
    print(jax.jit(kernel)(*tuple(_d.values())))

</pallas_src>

<mosaic_0001>
#map = affine_map<(d0, d1) -> (0, 0)>
#map1 = affine_map<(d0, d1) -> (0)>
module attributes {stable_mosaic.version = 14 : i64} {
  func.func @_sc_agg_body(%arg0: i32, %arg1: i32, %arg2: memref<10000x128xf32, #tpu.memory_space<hbm>>, %arg3: memref<320000xi32, #tpu.memory_space<hbm>>, %arg4: memref<320000xi32, #tpu.memory_space<hbm>>, %arg5: memref<10000xf32, #tpu.memory_space<hbm>>, %arg6: memref<20480x128xf32, #tpu.memory_space<hbm>>, %arg7: memref<32x16xf32, #tpu.memory_space<hbm>>, %arg8: memref<80xi32, #tpu.memory_space<vmem>>, %arg9: memref<80xi32, #tpu.memory_space<vmem>>, %arg10: memref<80xi32, #tpu.memory_space<vmem>>, %arg11: memref<80xi32, #tpu.memory_space<vmem>>, %arg12: memref<80x128xf32, #tpu.memory_space<vmem>>, %arg13: memref<80x128xf32, #tpu.memory_space<vmem>>, %arg14: memref<80x128xf32, #tpu.memory_space<vmem>>, %arg15: memref<80x128xf32, #tpu.memory_space<vmem>>, %arg16: memref<80xf32, #tpu.memory_space<vmem>>, %arg17: memref<80xf32, #tpu.memory_space<vmem>>, %arg18: memref<80xf32, #tpu.memory_space<vmem>>, %arg19: memref<80xf32, #tpu.memory_space<vmem>>, %arg20: memref<80xi32, #tpu.memory_space<vmem>>, %arg21: memref<80xi32, #tpu.memory_space<vmem>>, %arg22: memref<16xf32, #tpu.memory_space<vmem>>, %arg23: memref<10240x128xf32, #tpu.memory_space<vmem_shared>>, %arg24: memref<!tpu.dma_semaphore, #tpu.memory_space<semaphore_mem>>, %arg25: memref<!tpu.dma_semaphore, #tpu.memory_space<semaphore_mem>>, %arg26: memref<!tpu.dma_semaphore, #tpu.memory_space<semaphore_mem>>, %arg27: memref<!tpu.dma_semaphore, #tpu.memory_space<semaphore_mem>>, %arg28: memref<!tpu.dma_semaphore, #tpu.memory_space<semaphore_mem>>, %arg29: memref<!tpu.dma_semaphore, #tpu.memory_space<semaphore_mem>>) attributes {dimension_semantics = [#tpu.dimension_semantics<core_parallel>, #tpu.dimension_semantics<subcore_parallel>], iteration_bounds = array<i64: 2, 16>, scalar_prefetch = 0 : i64, scratch_operands = 22 : i64, tpu.core_type = #tpu.core_type<sc_vector_subcore>, window_params = [{transform_indices = #map}, {transform_indices = #map1}, {transform_indices = #map1}, {transform_indices = #map1}, {transform_indices = #map}, {transform_indices = #map}]} {
    %mul3A = arith.constant 16 : i32
    %mul3A_0 = arith.muli %arg0, %mul3A : i32
    %add3A = arith.addi %mul3A_0, %arg1 : i32
    %broadcast_in_dim3A = arith.constant 0.000000e+00 : f32
    %broadcast_in_dim3A_1 = vector.broadcast %broadcast_in_dim3A : f32 to vector<16xf32>
    %scan3A = arith.constant 0 : i32
    %scan3A_2 = arith.constant 0 : i32
    %scan3A_3 = arith.constant 80 : i32
    %scan3A_4 = arith.addi %scan3A_2, %scan3A_3 : i32
    %scan3A_5 = arith.constant 1 : i32
    scf.for %scan3A_131 = %scan3A_2 to %scan3A_4 step %scan3A_5  : i32 {
      %swap3A_132 = arith.index_cast %scan3A_131 : i32 to index
      %swap3A_133 = arith.constant 0 : index
      %swap3A_134 = tpu.vector_load %arg14[%swap3A_132, %swap3A_133] {strides = array<i32>} : memref<80x128xf32, #tpu.memory_space<vmem>>, vector<16xf32>,
      tpu.vector_store %arg14[%swap3A_132, %swap3A_133], %broadcast_in_dim3A_1 {strides = array<i32>} : memref<80x128xf32, #tpu.memory_space<vmem>>, vector<16xf32>,
      %swap3A_135 = arith.index_cast %scan3A_131 : i32 to index
      %swap3A_136 = arith.constant 16 : index
      %swap3A_137 = tpu.vector_load %arg14[%swap3A_135, %swap3A_136] {strides = array<i32>} : memref<80x128xf32, #tpu.memory_space<vmem>>, vector<16xf32>,
      tpu.vector_store %arg14[%swap3A_135, %swap3A_136], %broadcast_in_dim3A_1 {strides = array<i32>} : memref<80x128xf32, #tpu.memory_space<vmem>>, vector<16xf32>,
      %swap3A_138 = arith.index_cast %scan3A_131 : i32 to index
      %swap3A_139 = arith.constant 32 : index
      %swap3A_140 = tpu.vector_load %arg14[%swap3A_138, %swap3A_139] {strides = array<i32>} : memref<80x128xf32, #tpu.memory_space<vmem>>, vector<16xf32>,
      tpu.vector_store %arg14[%swap3A_138, %swap3A_139], %broadcast_in_dim3A_1 {strides = array<i32>} : memref<80x128xf32, #tpu.memory_space<vmem>>, vector<16xf32>,
      %swap3A_141 = arith.index_cast %scan3A_131 : i32 to index
      %swap3A_142 = arith.constant 48 : index
      %swap3A_143 = tpu.vector_load %arg14[%swap3A_141, %swap3A_142] {strides = array<i32>} : memref<80x128xf32, #tpu.memory_space<vmem>>, vector<16xf32>,
      tpu.vector_store %arg14[%swap3A_141, %swap3A_142], %broadcast_in_dim3A_1 {strides = array<i32>} : memref<80x128xf32, #tpu.memory_space<vmem>>, vector<16xf32>,
      %swap3A_144 = arith.index_cast %scan3A_131 : i32 to index
      %swap3A_145 = arith.constant 64 : index
      %swap3A_146 = tpu.vector_load %arg14[%swap3A_144, %swap3A_145] {strides = array<i32>} : memref<80x128xf32, #tpu.memory_space<vmem>>, vector<16xf32>,
      tpu.vector_store %arg14[%swap3A_144, %swap3A_145], %broadcast_in_dim3A_1 {strides = array<i32>} : memref<80x128xf32, #tpu.memory_space<vmem>>, vector<16xf32>,
      %swap3A_147 = arith.index_cast %scan3A_131 : i32 to index
      %swap3A_148 = arith.constant 80 : index
      %swap3A_149 = tpu.vector_load %arg14[%swap3A_147, %swap3A_148] {strides = array<i32>} : memref<80x128xf32, #tpu.memory_space<vmem>>, vector<16xf32>,
      tpu.vector_store %arg14[%swap3A_147, %swap3A_148], %broadcast_in_dim3A_1 {strides = array<i32>} : memref<80x128xf32, #tpu.memory_space<vmem>>, vector<16xf32>,
      %swap3A_150 = arith.index_cast %scan3A_131 : i32 to index
      %swap3A_151 = arith.constant 96 : index
      %swap3A_152 = tpu.vector_load %arg14[%swap3A_150, %swap3A_151] {strides = array<i32>} : memref<80x128xf32, #tpu.memory_space<vmem>>, vector<16xf32>,
      tpu.vector_store %arg14[%swap3A_150, %swap3A_151], %broadcast_in_dim3A_1 {strides = array<i32>} : memref<80x128xf32, #tpu.memory_space<vmem>>, vector<16xf32>,
      %swap3A_153 = arith.index_cast %scan3A_131 : i32 to index
      %swap3A_154 = arith.constant 112 : index
      %swap3A_155 = tpu.vector_load %arg14[%swap3A_153, %swap3A_154] {strides = array<i32>} : memref<80x128xf32, #tpu.memory_space<vmem>>, vector<16xf32>,
      tpu.vector_store %arg14[%swap3A_153, %swap3A_154], %broadcast_in_dim3A_1 {strides = array<i32>} : memref<80x128xf32, #tpu.memory_space<vmem>>, vector<16xf32>,
    }
    %scan3A_6 = arith.constant 80 : i32
    %mul3A_7 = arith.constant 640 : i32
    %mul3A_8 = arith.muli %arg1, %mul3A_7 : i32
    %add3A_9 = arith.constant 0 : i32
    %add3A_10 = arith.addi %mul3A_8, %add3A_9 : i32
    "tpu.region"() ({
      %run_scoped3A = tpu.sem_alloc : memref<!tpu.dma_semaphore, #tpu.memory_space<semaphore_mem>>
      %dma_start3A_131 = arith.constant 0 : i32
      %dma_start3A_132 = tpu.memref_slice %arg23[%add3A_10, %dma_start3A_131] : memref<10240x128xf32, #tpu.memory_space<vmem_shared>> -> memref<80x128xf32, #tpu.memory_space<vmem_shared>>
      %dma_start3A_133 = arith.constant 0 : i32
      %dma_start3A_134 = tpu.memref_slice %arg23[%add3A_10, %dma_start3A_133] : memref<10240x128xf32, #tpu.memory_space<vmem_shared>> -> memref<80x128xf32, #tpu.memory_space<vmem_shared>>
      tpu.enqueue_dma source(%arg14 : memref<80x128xf32, #tpu.memory_space<vmem>>) target(%dma_start3A_134 : memref<80x128xf32, #tpu.memory_space<vmem_shared>>) target_semaphore(%run_scoped3A : memref<!tpu.dma_semaphore, #tpu.memory_space<semaphore_mem>>)
      %dma_wait3A_135 = arith.constant 0 : i32
      %dma_wait3A_136 = tpu.memref_slice %arg23[%add3A_10, %dma_wait3A_135] : memref<10240x128xf32, #tpu.memory_space<vmem_shared>> -> memref<80x128xf32, #tpu.memory_space<vmem_shared>>
      %dma_wait3A_137 = arith.constant 0 : i32
      %dma_wait3A_138 = tpu.memref_slice %arg23[%add3A_10, %dma_wait3A_137] : memref<10240x128xf32, #tpu.memory_space<vmem_shared>> -> memref<80x128xf32, #tpu.memory_space<vmem_shared>>
      tpu.wait_dma2 semaphore(%run_scoped3A : memref<!tpu.dma_semaphore, #tpu.memory_space<semaphore_mem>>) src(%arg14 : memref<80x128xf32, #tpu.memory_space<vmem>>) dst(%dma_wait3A_138 : memref<80x128xf32, #tpu.memory_space<vmem_shared>>)
      tpu.yield
    }) : () -> ()
    %mul3A_11 = arith.constant 640 : i32
    %mul3A_12 = arith.muli %arg1, %mul3A_11 : i32
    %add3A_13 = arith.constant 80 : i32
    %add3A_14 = arith.addi %mul3A_12, %add3A_13 : i32
    "tpu.region"() ({
      %run_scoped3A = tpu.sem_alloc : memref<!tpu.dma_semaphore, #tpu.memory_space<semaphore_mem>>
      %dma_start3A_131 = arith.constant 0 : i32
      %dma_start3A_132 = tpu.memref_slice %arg23[%add3A_14, %dma_start3A_131] : memref<10240x128xf32, #tpu.memory_space<vmem_shared>> -> memref<80x128xf32, #tpu.memory_space<vmem_shared>>
      %dma_start3A_133 = arith.constant 0 : i32
      %dma_start3A_134 = tpu.memref_slice %arg23[%add3A_14, %dma_start3A_133] : memref<10240x128xf32, #tpu.memory_space<vmem_shared>> -> memref<80x128xf32, #tpu.memory_space<vmem_shared>>
      tpu.enqueue_dma source(%arg14 : memref<80x128xf32, #tpu.memory_space<vmem>>) target(%dma_start3A_134 : memref<80x128xf32, #tpu.memory_space<vmem_shared>>) target_semaphore(%run_scoped3A : memref<!tpu.dma_semaphore, #tpu.memory_space<semaphore_mem>>)
      %dma_wait3A_135 = arith.constant 0 : i32
      %dma_wait3A_136 = tpu.memref_slice %arg23[%add3A_14, %dma_wait3A_135] : memref<10240x128xf32, #tpu.memory_space<vmem_shared>> -> memref<80x128xf32, #tpu.memory_space<vmem_shared>>
      %dma_wait3A_137 = arith.constant 0 : i32
      %dma_wait3A_138 = tpu.memref_slice %arg23[%add3A_14, %dma_wait3A_137] : memref<10240x128xf32, #tpu.memory_space<vmem_shared>> -> memref<80x128xf32, #tpu.memory_space<vmem_shared>>
      tpu.wait_dma2 semaphore(%run_scoped3A : memref<!tpu.dma_semaphore, #tpu.memory_space<semaphore_mem>>) src(%arg14 : memref<80x128xf32, #tpu.memory_space<vmem>>) dst(%dma_wait3A_138 : memref<80x128xf32, #tpu.memory_space<vmem_shared>>)
      tpu.yield
    }) : () -> ()
    %mul3A_15 = arith.constant 640 : i32
    %mul3A_16 = arith.muli %arg1, %mul3A_15 : i32
    %add3A_17 = arith.constant 160 : i32
    %add3A_18 = arith.addi %mul3A_16, %add3A_17 : i32
    "tpu.region"() ({
      %run_scoped3A = tpu.sem_alloc : memref<!tpu.dma_semaphore, #tpu.memory_space<semaphore_mem>>
      %dma_start3A_131 = arith.constant 0 : i32
      %dma_start3A_132 = tpu.memref_slice %arg23[%add3A_18, %dma_start3A_131] : memref<10240x128xf32, #tpu.memory_space<vmem_shared>> -> memref<80x128xf32, #tpu.memory_space<vmem_shared>>
      %dma_start3A_133 = arith.constant 0 : i32
      %dma_start3A_134 = tpu.memref_slice %arg23[%add3A_18, %dma_start3A_133] : memref<10240x128xf32, #tpu.memory_space<vmem_shared>> -> memref<80x128xf32, #tpu.memory_space<vmem_shared>>
      tpu.enqueue_dma source(%arg14 : memref<80x128xf32, #tpu.memory_space<vmem>>) target(%dma_start3A_134 : memref<80x128xf32, #tpu.memory_space<vmem_shared>>) target_semaphore(%run_scoped3A : memref<!tpu.dma_semaphore, #tpu.memory_space<semaphore_mem>>)
      %dma_wait3A_135 = arith.constant 0 : i32
      %dma_wait3A_136 = tpu.memref_slice %arg23[%add3A_18, %dma_wait3A_135] : memref<10240x128xf32, #tpu.memory_space<vmem_shared>> -> memref<80x128xf32, #tpu.memory_space<vmem_shared>>
      %dma_wait3A_137 = arith.constant 0 : i32
      %dma_wait3A_138 = tpu.memref_slice %arg23[%add3A_18, %dma_wait3A_137] : memref<10240x128xf32, #tpu.memory_space<vmem_shared>> -> memref<80x128xf32, #tpu.memory_space<vmem_shared>>
      tpu.wait_dma2 semaphore(%run_scoped3A : memref<!tpu.dma_semaphore, #tpu.memory_space<semaphore_mem>>) src(%arg14 : memref<80x128xf32, #tpu.memory_space<vmem>>) dst(%dma_wait3A_138 : memref<80x128xf32, #tpu.memory_space<vmem_shared>>)
      tpu.yield
    }) : () -> ()
    %mul3A_19 = arith.constant 640 : i32
    %mul3A_20 = arith.muli %arg1, %mul3A_19 : i32
    %add3A_21 = arith.constant 240 : i32
    %add3A_22 = arith.addi %mul3A_20, %add3A_21 : i32
    "tpu.region"() ({
      %run_scoped3A = tpu.sem_alloc : memref<!tpu.dma_semaphore, #tpu.memory_space<semaphore_mem>>
      %dma_start3A_131 = arith.constant 0 : i32
      %dma_start3A_132 = tpu.memref_slice %arg23[%add3A_22, %dma_start3A_131] : memref<10240x128xf32, #tpu.memory_space<vmem_shared>> -> memref<80x128xf32, #tpu.memory_space<vmem_shared>>
      %dma_start3A_133 = arith.constant 0 : i32
      %dma_start3A_134 = tpu.memref_slice %arg23[%add3A_22, %dma_start3A_133] : memref<10240x128xf32, #tpu.memory_space<vmem_shared>> -> memref<80x128xf32, #tpu.memory_space<vmem_shared>>
      tpu.enqueue_dma source(%arg14 : memref<80x128xf32, #tpu.memory_space<vmem>>) target(%dma_start3A_134 : memref<80x128xf32, #tpu.memory_space<vmem_shared>>) target_semaphore(%run_scoped3A : memref<!tpu.dma_semaphore, #tpu.memory_space<semaphore_mem>>)
      %dma_wait3A_135 = arith.constant 0 : i32
      %dma_wait3A_136 = tpu.memref_slice %arg23[%add3A_22, %dma_wait3A_135] : memref<10240x128xf32, #tpu.memory_space<vmem_shared>> -> memref<80x128xf32, #tpu.memory_space<vmem_shared>>
      %dma_wait3A_137 = arith.constant 0 : i32
      %dma_wait3A_138 = tpu.memref_slice %arg23[%add3A_22, %dma_wait3A_137] : memref<10240x128xf32, #tpu.memory_space<vmem_shared>> -> memref<80x128xf32, #tpu.memory_space<vmem_shared>>
      tpu.wait_dma2 semaphore(%run_scoped3A : memref<!tpu.dma_semaphore, #tpu.memory_space<semaphore_mem>>) src(%arg14 : memref<80x128xf32, #tpu.memory_space<vmem>>) dst(%dma_wait3A_138 : memref<80x128xf32, #tpu.memory_space<vmem_shared>>)
      tpu.yield
    }) : () -> ()
    %mul3A_23 = arith.constant 640 : i32
    %mul3A_24 = arith.muli %arg1, %mul3A_23 : i32
    %add3A_25 = arith.constant 320 : i32
    %add3A_26 = arith.addi %mul3A_24, %add3A_25 : i32
    "tpu.region"() ({
      %run_scoped3A = tpu.sem_alloc : memref<!tpu.dma_semaphore, #tpu.memory_space<semaphore_mem>>
      %dma_start3A_131 = arith.constant 0 : i32
      %dma_start3A_132 = tpu.memref_slice %arg23[%add3A_26, %dma_start3A_131] : memref<10240x128xf32, #tpu.memory_space<vmem_shared>> -> memref<80x128xf32, #tpu.memory_space<vmem_shared>>
      %dma_start3A_133 = arith.constant 0 : i32
      %dma_start3A_134 = tpu.memref_slice %arg23[%add3A_26, %dma_start3A_133] : memref<10240x128xf32, #tpu.memory_space<vmem_shared>> -> memref<80x128xf32, #tpu.memory_space<vmem_shared>>
      tpu.enqueue_dma source(%arg14 : memref<80x128xf32, #tpu.memory_space<vmem>>) target(%dma_start3A_134 : memref<80x128xf32, #tpu.memory_space<vmem_shared>>) target_semaphore(%run_scoped3A : memref<!tpu.dma_semaphore, #tpu.memory_space<semaphore_mem>>)
      %dma_wait3A_135 = arith.constant 0 : i32
      %dma_wait3A_136 = tpu.memref_slice %arg23[%add3A_26, %dma_wait3A_135] : memref<10240x128xf32, #tpu.memory_space<vmem_shared>> -> memref<80x128xf32, #tpu.memory_space<vmem_shared>>
      %dma_wait3A_137 = arith.constant 0 : i32
      %dma_wait3A_138 = tpu.memref_slice %arg23[%add3A_26, %dma_wait3A_137] : memref<10240x128xf32, #tpu.memory_space<vmem_shared>> -> memref<80x128xf32, #tpu.memory_space<vmem_shared>>
      tpu.wait_dma2 semaphore(%run_scoped3A : memref<!tpu.dma_semaphore, #tpu.memory_space<semaphore_mem>>) src(%arg14 : memref<80x128xf32, #tpu.memory_space<vmem>>) dst(%dma_wait3A_138 : memref<80x128xf32, #tpu.memory_space<vmem_shared>>)
      tpu.yield
    }) : () -> ()
    %mul3A_27 = arith.constant 640 : i32
    %mul3A_28 = arith.muli %arg1, %mul3A_27 : i32
    %add3A_29 = arith.constant 400 : i32
    %add3A_30 = arith.addi %mul3A_28, %add3A_29 : i32
    "tpu.region"() ({
      %run_scoped3A = tpu.sem_alloc : memref<!tpu.dma_semaphore, #tpu.memory_space<semaphore_mem>>
      %dma_start3A_131 = arith.constant 0 : i32
      %dma_start3A_132 = tpu.memref_slice %arg23[%add3A_30, %dma_start3A_131] : memref<10240x128xf32, #tpu.memory_space<vmem_shared>> -> memref<80x128xf32, #tpu.memory_space<vmem_shared>>
      %dma_start3A_133 = arith.constant 0 : i32
      %dma_start3A_134 = tpu.memref_slice %arg23[%add3A_30, %dma_start3A_133] : memref<10240x128xf32, #tpu.memory_space<vmem_shared>> -> memref<80x128xf32, #tpu.memory_space<vmem_shared>>
      tpu.enqueue_dma source(%arg14 : memref<80x128xf32, #tpu.memory_space<vmem>>) target(%dma_start3A_134 : memref<80x128xf32, #tpu.memory_space<vmem_shared>>) target_semaphore(%run_scoped3A : memref<!tpu.dma_semaphore, #tpu.memory_space<semaphore_mem>>)
      %dma_wait3A_135 = arith.constant 0 : i32
      %dma_wait3A_136 = tpu.memref_slice %arg23[%add3A_30, %dma_wait3A_135] : memref<10240x128xf32, #tpu.memory_space<vmem_shared>> -> memref<80x128xf32, #tpu.memory_space<vmem_shared>>
      %dma_wait3A_137 = arith.constant 0 : i32
      %dma_wait3A_138 = tpu.memref_slice %arg23[%add3A_30, %dma_wait3A_137] : memref<10240x128xf32, #tpu.memory_space<vmem_shared>> -> memref<80x128xf32, #tpu.memory_space<vmem_shared>>
      tpu.wait_dma2 semaphore(%run_scoped3A : memref<!tpu.dma_semaphore, #tpu.memory_space<semaphore_mem>>) src(%arg14 : memref<80x128xf32, #tpu.memory_space<vmem>>) dst(%dma_wait3A_138 : memref<80x128xf32, #tpu.memory_space<vmem_shared>>)
      tpu.yield
    }) : () -> ()
    %mul3A_31 = arith.constant 640 : i32
    %mul3A_32 = arith.muli %arg1, %mul3A_31 : i32
    %add3A_33 = arith.constant 480 : i32
    %add3A_34 = arith.addi %mul3A_32, %add3A_33 : i32
    "tpu.region"() ({
      %run_scoped3A = tpu.sem_alloc : memref<!tpu.dma_semaphore, #tpu.memory_space<semaphore_mem>>
      %dma_start3A_131 = arith.constant 0 : i32
      %dma_start3A_132 = tpu.memref_slice %arg23[%add3A_34, %dma_start3A_131] : memref<10240x128xf32, #tpu.memory_space<vmem_shared>> -> memref<80x128xf32, #tpu.memory_space<vmem_shared>>
      %dma_start3A_133 = arith.constant 0 : i32
      %dma_start3A_134 = tpu.memref_slice %arg23[%add3A_34, %dma_start3A_133] : memref<10240x128xf32, #tpu.memory_space<vmem_shared>> -> memref<80x128xf32, #tpu.memory_space<vmem_shared>>
      tpu.enqueue_dma source(%arg14 : memref<80x128xf32, #tpu.memory_space<vmem>>) target(%dma_start3A_134 : memref<80x128xf32, #tpu.memory_space<vmem_shared>>) target_semaphore(%run_scoped3A : memref<!tpu.dma_semaphore, #tpu.memory_space<semaphore_mem>>)
      %dma_wait3A_135 = arith.constant 0 : i32
      %dma_wait3A_136 = tpu.memref_slice %arg23[%add3A_34, %dma_wait3A_135] : memref<10240x128xf32, #tpu.memory_space<vmem_shared>> -> memref<80x128xf32, #tpu.memory_space<vmem_shared>>
      %dma_wait3A_137 = arith.constant 0 : i32
      %dma_wait3A_138 = tpu.memref_slice %arg23[%add3A_34, %dma_wait3A_137] : memref<10240x128xf32, #tpu.memory_space<vmem_shared>> -> memref<80x128xf32, #tpu.memory_space<vmem_shared>>
      tpu.wait_dma2 semaphore(%run_scoped3A : memref<!tpu.dma_semaphore, #tpu.memory_space<semaphore_mem>>) src(%arg14 : memref<80x128xf32, #tpu.memory_space<vmem>>) dst(%dma_wait3A_138 : memref<80x128xf32, #tpu.memory_space<vmem_shared>>)
      tpu.yield
    }) : () -> ()
    %mul3A_35 = arith.constant 640 : i32
    %mul3A_36 = arith.muli %arg1, %mul3A_35 : i32
    %add3A_37 = arith.constant 560 : i32
    %add3A_38 = arith.addi %mul3A_36, %add3A_37 : i32
    "tpu.region"() ({
      %run_scoped3A = tpu.sem_alloc : memref<!tpu.dma_semaphore, #tpu.memory_space<semaphore_mem>>
      %dma_start3A_131 = arith.constant 0 : i32
      %dma_start3A_132 = tpu.memref_slice %arg23[%add3A_38, %dma_start3A_131] : memref<10240x128xf32, #tpu.memory_space<vmem_shared>> -> memref<80x128xf32, #tpu.memory_space<vmem_shared>>
      %dma_start3A_133 = arith.constant 0 : i32
      %dma_start3A_134 = tpu.memref_slice %arg23[%add3A_38, %dma_start3A_133] : memref<10240x128xf32, #tpu.memory_space<vmem_shared>> -> memref<80x128xf32, #tpu.memory_space<vmem_shared>>
      tpu.enqueue_dma source(%arg14 : memref<80x128xf32, #tpu.memory_space<vmem>>) target(%dma_start3A_134 : memref<80x128xf32, #tpu.memory_space<vmem_shared>>) target_semaphore(%run_scoped3A : memref<!tpu.dma_semaphore, #tpu.memory_space<semaphore_mem>>)
      %dma_wait3A_135 = arith.constant 0 : i32
      %dma_wait3A_136 = tpu.memref_slice %arg23[%add3A_38, %dma_wait3A_135] : memref<10240x128xf32, #tpu.memory_space<vmem_shared>> -> memref<80x128xf32, #tpu.memory_space<vmem_shared>>
      %dma_wait3A_137 = arith.constant 0 : i32
      %dma_wait3A_138 = tpu.memref_slice %arg23[%add3A_38, %dma_wait3A_137] : memref<10240x128xf32, #tpu.memory_space<vmem_shared>> -> memref<80x128xf32, #tpu.memory_space<vmem_shared>>
      tpu.wait_dma2 semaphore(%run_scoped3A : memref<!tpu.dma_semaphore, #tpu.memory_space<semaphore_mem>>) src(%arg14 : memref<80x128xf32, #tpu.memory_space<vmem>>) dst(%dma_wait3A_138 : memref<80x128xf32, #tpu.memory_space<vmem_shared>>)
      tpu.yield
    }) : () -> ()
    %barrier3A = arith.constant 0 : index
    tpu.barrier barrier_id(%barrier3A)
    %mul3A_39 = arith.constant 10000 : i32
    %mul3A_40 = arith.muli %add3A, %mul3A_39 : i32
    %iota3A = tpu.iota {dimensions = array<i32: 0>} : vector<16xi32>
    %eq3A = arith.constant 0 : i32
    %eq3A_41 = vector.broadcast %eq3A : i32 to vector<16xi32>
    %eq3A_42 = arith.cmpi eq, %iota3A, %eq3A_41 : vector<16xi32>
    %broadcast_in_dim3A_43 = arith.constant 0.000000e+00 : f32
    %broadcast_in_dim3A_44 = vector.broadcast %broadcast_in_dim3A_43 : f32 to vector<16xf32>
    %add3A_45 = arith.constant 0 : i32
    %add3A_46 = arith.addi %mul3A_40, %add3A_45 : i32
    %dma_start3A = tpu.memref_slice %arg3[%add3A_46] : memref<320000xi32, #tpu.memory_space<hbm>> -> memref<80xi32, #tpu.memory_space<hbm>>
    %dma_start3A_47 = tpu.memref_slice %arg3[%add3A_46] : memref<320000xi32, #tpu.memory_space<hbm>> -> memref<80xi32, #tpu.memory_space<hbm>>
    tpu.enqueue_dma source(%dma_start3A_47 : memref<80xi32, #tpu.memory_space<hbm>>) target(%arg8 : memref<80xi32, #tpu.memory_space<vmem>>) target_semaphore(%arg24 : memref<!tpu.dma_semaphore, #tpu.memory_space<semaphore_mem>>)
    %dma_start3A_48 = tpu.memref_slice %arg4[%add3A_46] : memref<320000xi32, #tpu.memory_space<hbm>> -> memref<80xi32, #tpu.memory_space<hbm>>
    %dma_start3A_49 = tpu.memref_slice %arg4[%add3A_46] : memref<320000xi32, #tpu.memory_space<hbm>> -> memref<80xi32, #tpu.memory_space<hbm>>
    tpu.enqueue_dma source(%dma_start3A_49 : memref<80xi32, #tpu.memory_space<hbm>>) target(%arg10 : memref<80xi32, #tpu.memory_space<vmem>>) target_semaphore(%arg24 : memref<!tpu.dma_semaphore, #tpu.memory_space<semaphore_mem>>)
    %add3A_50 = arith.constant 80 : i32
    %add3A_51 = arith.addi %mul3A_40, %add3A_50 : i32
    %dma_start3A_52 = tpu.memref_slice %arg3[%add3A_51] : memref<320000xi32, #tpu.memory_space<hbm>> -> memref<80xi32, #tpu.memory_space<hbm>>
    %dma_start3A_53 = tpu.memref_slice %arg3[%add3A_51] : memref<320000xi32, #tpu.memory_space<hbm>> -> memref<80xi32, #tpu.memory_space<hbm>>
    tpu.enqueue_dma source(%dma_start3A_53 : memref<80xi32, #tpu.memory_space<hbm>>) target(%arg9 : memref<80xi32, #tpu.memory_space<vmem>>) target_semaphore(%arg25 : memref<!tpu.dma_semaphore, #tpu.memory_space<semaphore_mem>>)
    %dma_start3A_54 = tpu.memref_slice %arg4[%add3A_51] : memref<320000xi32, #tpu.memory_space<hbm>> -> memref<80xi32, #tpu.memory_space<hbm>>
    %dma_start3A_55 = tpu.memref_slice %arg4[%add3A_51] : memref<320000xi32, #tpu.memory_space<hbm>> -> memref<80xi32, #tpu.memory_space<hbm>>
    tpu.enqueue_dma source(%dma_start3A_55 : memref<80xi32, #tpu.memory_space<hbm>>) target(%arg11 : memref<80xi32, #tpu.memory_space<vmem>>) target_semaphore(%arg25 : memref<!tpu.dma_semaphore, #tpu.memory_space<semaphore_mem>>)
    %dma_wait3A = arith.constant 0 : i32
    %dma_wait3A_56 = tpu.memref_slice %arg3[%dma_wait3A] : memref<320000xi32, #tpu.memory_space<hbm>> -> memref<80xi32, #tpu.memory_space<hbm>>
    %dma_wait3A_57 = arith.constant 0 : i32
    %dma_wait3A_58 = tpu.memref_slice %arg3[%dma_wait3A_57] : memref<320000xi32, #tpu.memory_space<hbm>> -> memref<80xi32, #tpu.memory_space<hbm>>
    tpu.wait_dma2 semaphore(%arg24 : memref<!tpu.dma_semaphore, #tpu.memory_space<semaphore_mem>>) src(%dma_wait3A_58 : memref<80xi32, #tpu.memory_space<hbm>>) dst(%arg8 : memref<80xi32, #tpu.memory_space<vmem>>)
    %dma_wait3A_59 = arith.constant 0 : i32
    %dma_wait3A_60 = tpu.memref_slice %arg4[%dma_wait3A_59] : memref<320000xi32, #tpu.memory_space<hbm>> -> memref<80xi32, #tpu.memory_space<hbm>>
    %dma_wait3A_61 = arith.constant 0 : i32
    %dma_wait3A_62 = tpu.memref_slice %arg4[%dma_wait3A_61] : memref<320000xi32, #tpu.memory_space<hbm>> -> memref<80xi32, #tpu.memory_space<hbm>>
    tpu.wait_dma2 semaphore(%arg24 : memref<!tpu.dma_semaphore, #tpu.memory_space<semaphore_mem>>) src(%dma_wait3A_62 : memref<80xi32, #tpu.memory_space<hbm>>) dst(%arg10 : memref<80xi32, #tpu.memory_space<vmem>>)
    %dma_start3A_63 = arith.constant 0 : i32
    %dma_start3A_64 = arith.constant 0 : i32
    %dma_start3A_65 = tpu.memref_slice %arg2[%dma_start3A_63, %dma_start3A_64] : memref<10000x128xf32, #tpu.memory_space<hbm>> -> memref<10000x128xf32, #tpu.memory_space<hbm>>
    tpu.enqueue_indirect_dma source(%dma_start3A_65 : memref<10000x128xf32, #tpu.memory_space<hbm>>) target(%arg12 : memref<80x128xf32, #tpu.memory_space<vmem>>) offsets(%arg8 : memref<80xi32, #tpu.memory_space<vmem>>) semaphore(%arg26 : memref<!tpu.dma_semaphore, #tpu.memory_space<semaphore_mem>>)
    %dma_start3A_66 = arith.constant 0 : i32
    %dma_start3A_67 = arith.constant 0 : i32
    %dma_start3A_68 = tpu.memref_slice %arg2[%dma_start3A_66, %dma_start3A_67] : memref<10000x128xf32, #tpu.memory_space<hbm>> -> memref<10000x128xf32, #tpu.memory_space<hbm>>
    tpu.enqueue_indirect_dma source(%dma_start3A_68 : memref<10000x128xf32, #tpu.memory_space<hbm>>) target(%arg14 : memref<80x128xf32, #tpu.memory_space<vmem>>) offsets(%arg10 : memref<80xi32, #tpu.memory_space<vmem>>) semaphore(%arg26 : memref<!tpu.dma_semaphore, #tpu.memory_space<semaphore_mem>>)
    %dma_start3A_69 = arith.constant 0 : i32
    %dma_start3A_70 = tpu.memref_slice %arg5[%dma_start3A_69] : memref<10000xf32, #tpu.memory_space<hbm>> -> memref<10000xf32, #tpu.memory_space<hbm>>
    tpu.enqueue_indirect_dma source(%dma_start3A_70 : memref<10000xf32, #tpu.memory_space<hbm>>) target(%arg16 : memref<80xf32, #tpu.memory_space<vmem>>) offsets(%arg8 : memref<80xi32, #tpu.memory_space<vmem>>) semaphore(%arg26 : memref<!tpu.dma_semaphore, #tpu.memory_space<semaphore_mem>>)
    %dma_start3A_71 = arith.constant 0 : i32
    %dma_start3A_72 = tpu.memref_slice %arg5[%dma_start3A_71] : memref<10000xf32, #tpu.memory_space<hbm>> -> memref<10000xf32, #tpu.memory_space<hbm>>
    tpu.enqueue_indirect_dma source(%dma_start3A_72 : memref<10000xf32, #tpu.memory_space<hbm>>) target(%arg18 : memref<80xf32, #tpu.memory_space<vmem>>) offsets(%arg10 : memref<80xi32, #tpu.memory_space<vmem>>) semaphore(%arg26 : memref<!tpu.dma_semaphore, #tpu.memory_space<semaphore_mem>>)
    %broadcast_in_dim3A_73 = arith.constant 0.000000e+00 : f32
    %broadcast_in_dim3A_74 = vector.broadcast %broadcast_in_dim3A_73 : f32 to vector<16xf32>
    %scan3A_75 = arith.constant 0 : i32
    %scan3A_76 = arith.constant 62 : i32
    %scan3A_77 = arith.addi %scan3A_75, %scan3A_76 : i32
    %scan3A_78 = arith.constant 1 : i32
    %scan3A_79 = scf.for %scan3A_131 = %scan3A_75 to %scan3A_77 step %scan3A_78 iter_args(%scan3A_132 = %broadcast_in_dim3A_74) -> (vector<16xf32>)  : i32 {
      %mul3A_133 = arith.constant 2 : i32
      %mul3A_134 = arith.muli %scan3A_131, %mul3A_133 : i32
      %dma_wait3A_135 = arith.constant 0 : i32
      %dma_wait3A_136 = arith.constant 0 : i32
      %dma_wait3A_137 = tpu.memref_slice %arg2[%dma_wait3A_135, %dma_wait3A_136] : memref<10000x128xf32, #tpu.memory_space<hbm>> -> memref<10000x128xf32, #tpu.memory_space<hbm>>
      tpu.wait_indirect_dma semaphore(%arg26 : memref<!tpu.dma_semaphore, #tpu.memory_space<semaphore_mem>>) src(%dma_wait3A_137 : memref<10000x128xf32, #tpu.memory_space<hbm>>) dst(%arg12 : memref<80x128xf32, #tpu.memory_space<vmem>>)
      %dma_wait3A_138 = arith.constant 0 : i32
      %dma_wait3A_139 = arith.constant 0 : i32
      %dma_wait3A_140 = tpu.memref_slice %arg2[%dma_wait3A_138, %dma_wait3A_139] : memref<10000x128xf32, #tpu.memory_space<hbm>> -> memref<10000x128xf32, #tpu.memory_space<hbm>>
      tpu.wait_indirect_dma semaphore(%arg26 : memref<!tpu.dma_semaphore, #tpu.memory_space<semaphore_mem>>) src(%dma_wait3A_140 : memref<10000x128xf32, #tpu.memory_space<hbm>>) dst(%arg14 : memref<80x128xf32, #tpu.memory_space<vmem>>)
      %dma_wait3A_141 = arith.constant 0 : i32
      %dma_wait3A_142 = tpu.memref_slice %arg5[%dma_wait3A_141] : memref<10000xf32, #tpu.memory_space<hbm>> -> memref<10000xf32, #tpu.memory_space<hbm>>
      tpu.wait_indirect_dma semaphore(%arg26 : memref<!tpu.dma_semaphore, #tpu.memory_space<semaphore_mem>>) src(%dma_wait3A_142 : memref<10000xf32, #tpu.memory_space<hbm>>) dst(%arg16 : memref<80xf32, #tpu.memory_space<vmem>>)
      %dma_wait3A_143 = arith.constant 0 : i32
      %dma_wait3A_144 = tpu.memref_slice %arg5[%dma_wait3A_143] : memref<10000xf32, #tpu.memory_space<hbm>> -> memref<10000xf32, #tpu.memory_space<hbm>>
      tpu.wait_indirect_dma semaphore(%arg26 : memref<!tpu.dma_semaphore, #tpu.memory_space<semaphore_mem>>) src(%dma_wait3A_144 : memref<10000xf32, #tpu.memory_space<hbm>>) dst(%arg18 : memref<80xf32, #tpu.memory_space<vmem>>)
      %gt3A = arith.constant 0 : i32
      %gt3A_145 = arith.cmpi sgt, %mul3A_134, %gt3A : i32
      %convert_element_type3A = arith.extui %gt3A_145 : i1 to i32
      %cond3A = arith.constant 0 : i32
      %cond3A_146 = arith.cmpi ne, %convert_element_type3A, %cond3A : i32
      scf.if %cond3A_146 {
        %dma_wait3A_249 = arith.constant 0 : i32
        %dma_wait3A_250 = arith.constant 0 : i32
        %dma_wait3A_251 = tpu.memref_slice %arg23[%dma_wait3A_249, %dma_wait3A_250] : memref<10240x128xf32, #tpu.memory_space<vmem_shared>> -> memref<10240x128xf32, #tpu.memory_space<vmem_shared>>
        tpu.wait_indirect_dma semaphore(%arg29 : memref<!tpu.dma_semaphore, #tpu.memory_space<semaphore_mem>>) src(%arg15 : memref<80x128xf32, #tpu.memory_space<vmem>>) dst(%dma_wait3A_251 : memref<10240x128xf32, #tpu.memory_space<vmem_shared>>)
      } else {
      }
      %dma_wait3A_147 = arith.constant 0 : i32
      %dma_wait3A_148 = tpu.memref_slice %arg3[%dma_wait3A_147] : memref<320000xi32, #tpu.memory_space<hbm>> -> memref<80xi32, #tpu.memory_space<hbm>>
      %dma_wait3A_149 = arith.constant 0 : i32
      %dma_wait3A_150 = tpu.memref_slice %arg3[%dma_wait3A_149] : memref<320000xi32, #tpu.memory_space<hbm>> -> memref<80xi32, #tpu.memory_space<hbm>>
      tpu.wait_dma2 semaphore(%arg25 : memref<!tpu.dma_semaphore, #tpu.memory_space<semaphore_mem>>) src(%dma_wait3A_150 : memref<80xi32, #tpu.memory_space<hbm>>) dst(%arg9 : memref<80xi32, #tpu.memory_space<vmem>>)
      %dma_wait3A_151 = arith.constant 0 : i32
      %dma_wait3A_152 = tpu.memref_slice %arg4[%dma_wait3A_151] : memref<320000xi32, #tpu.memory_space<hbm>> -> memref<80xi32, #tpu.memory_space<hbm>>
      %dma_wait3A_153 = arith.constant 0 : i32
      %dma_wait3A_154 = tpu.memref_slice %arg4[%dma_wait3A_153] : memref<320000xi32, #tpu.memory_space<hbm>> -> memref<80xi32, #tpu.memory_space<hbm>>
      tpu.wait_dma2 semaphore(%arg25 : memref<!tpu.dma_semaphore, #tpu.memory_space<semaphore_mem>>) src(%dma_wait3A_154 : memref<80xi32, #tpu.memory_space<hbm>>) dst(%arg11 : memref<80xi32, #tpu.memory_space<vmem>>)
      %dma_start3A_155 = arith.constant 0 : i32
      %dma_start3A_156 = arith.constant 0 : i32
      %dma_start3A_157 = tpu.memref_slice %arg2[%dma_start3A_155, %dma_start3A_156] : memref<10000x128xf32, #tpu.memory_space<hbm>> -> memref<10000x128xf32, #tpu.memory_space<hbm>>
      tpu.enqueue_indirect_dma source(%dma_start3A_157 : memref<10000x128xf32, #tpu.memory_space<hbm>>) target(%arg13 : memref<80x128xf32, #tpu.memory_space<vmem>>) offsets(%arg9 : memref<80xi32, #tpu.memory_space<vmem>>) semaphore(%arg27 : memref<!tpu.dma_semaphore, #tpu.memory_space<semaphore_mem>>)
      %dma_start3A_158 = arith.constant 0 : i32
      %dma_start3A_159 = arith.constant 0 : i32
      %dma_start3A_160 = tpu.memref_slice %arg2[%dma_start3A_158, %dma_start3A_159] : memref<10000x128xf32, #tpu.memory_space<hbm>> -> memref<10000x128xf32, #tpu.memory_space<hbm>>
      tpu.enqueue_indirect_dma source(%dma_start3A_160 : memref<10000x128xf32, #tpu.memory_space<hbm>>) target(%arg15 : memref<80x128xf32, #tpu.memory_space<vmem>>) offsets(%arg11 : memref<80xi32, #tpu.memory_space<vmem>>) semaphore(%arg27 : memref<!tpu.dma_semaphore, #tpu.memory_space<semaphore_mem>>)
      %dma_start3A_161 = arith.constant 0 : i32
      %dma_start3A_162 = tpu.memref_slice %arg5[%dma_start3A_161] : memref<10000xf32, #tpu.memory_space<hbm>> -> memref<10000xf32, #tpu.memory_space<hbm>>
      tpu.enqueue_indirect_dma source(%dma_start3A_162 : memref<10000xf32, #tpu.memory_space<hbm>>) target(%arg17 : memref<80xf32, #tpu.memory_space<vmem>>) offsets(%arg9 : memref<80xi32, #tpu.memory_space<vmem>>) semaphore(%arg27 : memref<!tpu.dma_semaphore, #tpu.memory_space<semaphore_mem>>)
      %dma_start3A_163 = arith.constant 0 : i32
      %dma_start3A_164 = tpu.memref_slice %arg5[%dma_start3A_163] : memref<10000xf32, #tpu.memory_space<hbm>> -> memref<10000xf32, #tpu.memory_space<hbm>>
      tpu.enqueue_indirect_dma source(%dma_start3A_164 : memref<10000xf32, #tpu.memory_space<hbm>>) target(%arg19 : memref<80xf32, #tpu.memory_space<vmem>>) offsets(%arg11 : memref<80xi32, #tpu.memory_space<vmem>>) semaphore(%arg27 : memref<!tpu.dma_semaphore, #tpu.memory_space<semaphore_mem>>)
      %parallel_loop3A_165 = arith.constant 0 : i32
      %parallel_loop3A_166 = arith.constant 80 : i32
      %parallel_loop3A_167 = arith.constant 1 : i32
      %parallel_loop3A_168 = scf.for %parallel_loop3A_249 = %parallel_loop3A_165 to %parallel_loop3A_166 step %parallel_loop3A_167 iter_args(%parallel_loop3A_250 = %scan3A_132) -> (vector<16xf32>)  : i32 {
        %parallel_loop3A_251 = vector.broadcast %parallel_loop3A_249 : i32 to vector<16xi32>
        %parallel_loop3A_252 = arith.index_cast %parallel_loop3A_249 : i32 to index
        %parallel_loop3A_253 = arith.constant 0 : index
        %parallel_loop3A_254 = tpu.vector_load %arg12[%parallel_loop3A_252, %parallel_loop3A_253] {strides = array<i32>} : memref<80x128xf32, #tpu.memory_space<vmem>>, vector<16xf32>,
        %parallel_loop3A_255 = arith.index_cast %parallel_loop3A_249 : i32 to index
        %parallel_loop3A_256 = arith.constant 16 : index
        %parallel_loop3A_257 = tpu.vector_load %arg12[%parallel_loop3A_255, %parallel_loop3A_256] {strides = array<i32>} : memref<80x128xf32, #tpu.memory_space<vmem>>, vector<16xf32>,
        %parallel_loop3A_258 = arith.index_cast %parallel_loop3A_249 : i32 to index
        %parallel_loop3A_259 = arith.constant 32 : index
        %parallel_loop3A_260 = tpu.vector_load %arg12[%parallel_loop3A_258, %parallel_loop3A_259] {strides = array<i32>} : memref<80x128xf32, #tpu.memory_space<vmem>>, vector<16xf32>,
        %parallel_loop3A_261 = arith.index_cast %parallel_loop3A_249 : i32 to index
        %parallel_loop3A_262 = arith.constant 48 : index
        %parallel_loop3A_263 = tpu.vector_load %arg12[%parallel_loop3A_261, %parallel_loop3A_262] {strides = array<i32>} : memref<80x128xf32, #tpu.memory_space<vmem>>, vector<16xf32>,
        %parallel_loop3A_264 = arith.index_cast %parallel_loop3A_249 : i32 to index
        %parallel_loop3A_265 = arith.constant 64 : index
        %parallel_loop3A_266 = tpu.vector_load %arg12[%parallel_loop3A_264, %parallel_loop3A_265] {strides = array<i32>} : memref<80x128xf32, #tpu.memory_space<vmem>>, vector<16xf32>,
        %parallel_loop3A_267 = arith.index_cast %parallel_loop3A_249 : i32 to index
        %parallel_loop3A_268 = arith.constant 80 : index
        %parallel_loop3A_269 = tpu.vector_load %arg12[%parallel_loop3A_267, %parallel_loop3A_268] {strides = array<i32>} : memref<80x128xf32, #tpu.memory_space<vmem>>, vector<16xf32>,
        %parallel_loop3A_270 = arith.index_cast %parallel_loop3A_249 : i32 to index
        %parallel_loop3A_271 = arith.constant 96 : index
        %parallel_loop3A_272 = tpu.vector_load %arg12[%parallel_loop3A_270, %parallel_loop3A_271] {strides = array<i32>} : memref<80x128xf32, #tpu.memory_space<vmem>>, vector<16xf32>,
        %parallel_loop3A_273 = arith.index_cast %parallel_loop3A_249 : i32 to index
        %parallel_loop3A_274 = arith.constant 112 : index
        %parallel_loop3A_275 = tpu.vector_load %arg12[%parallel_loop3A_273, %parallel_loop3A_274] {strides = array<i32>} : memref<80x128xf32, #tpu.memory_space<vmem>>, vector<16xf32>,
        %parallel_loop3A_276 = arith.index_cast %parallel_loop3A_249 : i32 to index
        %parallel_loop3A_277 = arith.constant 0 : index
        %parallel_loop3A_278 = tpu.vector_load %arg14[%parallel_loop3A_276, %parallel_loop3A_277] {strides = array<i32>} : memref<80x128xf32, #tpu.memory_space<vmem>>, vector<16xf32>,
        %parallel_loop3A_279 = arith.index_cast %parallel_loop3A_249 : i32 to index
        %parallel_loop3A_280 = arith.constant 16 : index
        %parallel_loop3A_281 = tpu.vector_load %arg14[%parallel_loop3A_279, %parallel_loop3A_280] {strides = array<i32>} : memref<80x128xf32, #tpu.memory_space<vmem>>, vector<16xf32>,
        %parallel_loop3A_282 = arith.index_cast %parallel_loop3A_249 : i32 to index
        %parallel_loop3A_283 = arith.constant 32 : index
        %parallel_loop3A_284 = tpu.vector_load %arg14[%parallel_loop3A_282, %parallel_loop3A_283] {strides = array<i32>} : memref<80x128xf32, #tpu.memory_space<vmem>>, vector<16xf32>,
        %parallel_loop3A_285 = arith.index_cast %parallel_loop3A_249 : i32 to index
        %parallel_loop3A_286 = arith.constant 48 : index
        %parallel_loop3A_287 = tpu.vector_load %arg14[%parallel_loop3A_285, %parallel_loop3A_286] {strides = array<i32>} : memref<80x128xf32, #tpu.memory_space<vmem>>, vector<16xf32>,
        %parallel_loop3A_288 = arith.index_cast %parallel_loop3A_249 : i32 to index
        %parallel_loop3A_289 = arith.constant 64 : index
        %parallel_loop3A_290 = tpu.vector_load %arg14[%parallel_loop3A_288, %parallel_loop3A_289] {strides = array<i32>} : memref<80x128xf32, #tpu.memory_space<vmem>>, vector<16xf32>,
        %parallel_loop3A_291 = arith.index_cast %parallel_loop3A_249 : i32 to index
        %parallel_loop3A_292 = arith.constant 80 : index
        %parallel_loop3A_293 = tpu.vector_load %arg14[%parallel_loop3A_291, %parallel_loop3A_292] {strides = array<i32>} : memref<80x128xf32, #tpu.memory_space<vmem>>, vector<16xf32>,
        %parallel_loop3A_294 = arith.index_cast %parallel_loop3A_249 : i32 to index
        %parallel_loop3A_295 = arith.constant 96 : index
        %parallel_loop3A_296 = tpu.vector_load %arg14[%parallel_loop3A_294, %parallel_loop3A_295] {strides = array<i32>} : memref<80x128xf32, #tpu.memory_space<vmem>>, vector<16xf32>,
        %parallel_loop3A_297 = arith.index_cast %parallel_loop3A_249 : i32 to index
        %parallel_loop3A_298 = arith.constant 112 : index
        %parallel_loop3A_299 = tpu.vector_load %arg14[%parallel_loop3A_297, %parallel_loop3A_298] {strides = array<i32>} : memref<80x128xf32, #tpu.memory_space<vmem>>, vector<16xf32>,
        %parallel_loop3A_300 = arith.mulf %parallel_loop3A_254, %parallel_loop3A_278 : vector<16xf32>
        %parallel_loop3A_301 = arith.mulf %parallel_loop3A_257, %parallel_loop3A_281 : vector<16xf32>
        %parallel_loop3A_302 = arith.mulf %parallel_loop3A_260, %parallel_loop3A_284 : vector<16xf32>
        %parallel_loop3A_303 = arith.mulf %parallel_loop3A_263, %parallel_loop3A_287 : vector<16xf32>
        %parallel_loop3A_304 = arith.mulf %parallel_loop3A_266, %parallel_loop3A_290 : vector<16xf32>
        %parallel_loop3A_305 = arith.mulf %parallel_loop3A_269, %parallel_loop3A_293 : vector<16xf32>
        %parallel_loop3A_306 = arith.mulf %parallel_loop3A_272, %parallel_loop3A_296 : vector<16xf32>
        %parallel_loop3A_307 = arith.mulf %parallel_loop3A_275, %parallel_loop3A_299 : vector<16xf32>
        %parallel_loop3A_308 = arith.addf %parallel_loop3A_300, %parallel_loop3A_301 : vector<16xf32>
        %parallel_loop3A_309 = arith.addf %parallel_loop3A_302, %parallel_loop3A_303 : vector<16xf32>
        %parallel_loop3A_310 = arith.addf %parallel_loop3A_308, %parallel_loop3A_309 : vector<16xf32>
        %parallel_loop3A_311 = arith.addf %parallel_loop3A_304, %parallel_loop3A_305 : vector<16xf32>
        %parallel_loop3A_312 = arith.addf %parallel_loop3A_306, %parallel_loop3A_307 : vector<16xf32>
        %parallel_loop3A_313 = arith.addf %parallel_loop3A_311, %parallel_loop3A_312 : vector<16xf32>
        %parallel_loop3A_314 = arith.addf %parallel_loop3A_310, %parallel_loop3A_313 : vector<16xf32>
        %parallel_loop3A_315 = arith.constant true
        %parallel_loop3A_316 = vector.broadcast %parallel_loop3A_315 : i1 to vector<16xi1>
        %parallel_loop3A_317 = tpu.scan <sum>, %parallel_loop3A_314 masked %parallel_loop3A_316 : vector<16xf32>, vector<16xi1> -> vector<16xf32>
        %parallel_loop3A_318 = vector.extract %parallel_loop3A_317[15] : f32 from vector<16xf32>
        %parallel_loop3A_319 = tpu.vector_load_idx %arg16[%parallel_loop3A_251] : memref<80xf32, #tpu.memory_space<vmem>>[vector<16xi32>], vector<16xf32>,
        %parallel_loop3A_320 = tpu.vector_load_idx %arg18[%parallel_loop3A_251] : memref<80xf32, #tpu.memory_space<vmem>>[vector<16xi32>], vector<16xf32>,
        %parallel_loop3A_321 = vector.broadcast %parallel_loop3A_318 : f32 to vector<16xf32>
        %parallel_loop3A_322 = arith.mulf %parallel_loop3A_321, %parallel_loop3A_319 : vector<16xf32>
        %parallel_loop3A_323 = arith.mulf %parallel_loop3A_322, %parallel_loop3A_320 : vector<16xf32>
        %parallel_loop3A_324 = arith.constant 1.000000e+00 : f32
        %parallel_loop3A_325 = vector.broadcast %parallel_loop3A_324 : f32 to vector<16xf32>
        %parallel_loop3A_326 = arith.subf %parallel_loop3A_323, %parallel_loop3A_325 : vector<16xf32>
        %parallel_loop3A_327 = math.exp %parallel_loop3A_326 : vector<16xf32>
        %parallel_loop3A_328 = arith.mulf %parallel_loop3A_278, %parallel_loop3A_327 : vector<16xf32>
        %parallel_loop3A_329 = arith.index_cast %parallel_loop3A_249 : i32 to index
        %parallel_loop3A_330 = arith.constant 0 : index
        %parallel_loop3A_331 = tpu.vector_load %arg14[%parallel_loop3A_329, %parallel_loop3A_330] {strides = array<i32>} : memref<80x128xf32, #tpu.memory_space<vmem>>, vector<16xf32>,
        tpu.vector_store %arg14[%parallel_loop3A_329, %parallel_loop3A_330], %parallel_loop3A_328 {strides = array<i32>} : memref<80x128xf32, #tpu.memory_space<vmem>>, vector<16xf32>,
        %parallel_loop3A_332 = arith.mulf %parallel_loop3A_281, %parallel_loop3A_327 : vector<16xf32>
        %parallel_loop3A_333 = arith.index_cast %parallel_loop3A_249 : i32 to index
        %parallel_loop3A_334 = arith.constant 16 : index
        %parallel_loop3A_335 = tpu.vector_load %arg14[%parallel_loop3A_333, %parallel_loop3A_334] {strides = array<i32>} : memref<80x128xf32, #tpu.memory_space<vmem>>, vector<16xf32>,
        tpu.vector_store %arg14[%parallel_loop3A_333, %parallel_loop3A_334], %parallel_loop3A_332 {strides = array<i32>} : memref<80x128xf32, #tpu.memory_space<vmem>>, vector<16xf32>,
        %parallel_loop3A_336 = arith.mulf %parallel_loop3A_284, %parallel_loop3A_327 : vector<16xf32>
        %parallel_loop3A_337 = arith.index_cast %parallel_loop3A_249 : i32 to index
        %parallel_loop3A_338 = arith.constant 32 : index
        %parallel_loop3A_339 = tpu.vector_load %arg14[%parallel_loop3A_337, %parallel_loop3A_338] {strides = array<i32>} : memref<80x128xf32, #tpu.memory_space<vmem>>, vector<16xf32>,
        tpu.vector_store %arg14[%parallel_loop3A_337, %parallel_loop3A_338], %parallel_loop3A_336 {strides = array<i32>} : memref<80x128xf32, #tpu.memory_space<vmem>>, vector<16xf32>,
        %parallel_loop3A_340 = arith.mulf %parallel_loop3A_287, %parallel_loop3A_327 : vector<16xf32>
        %parallel_loop3A_341 = arith.index_cast %parallel_loop3A_249 : i32 to index
        %parallel_loop3A_342 = arith.constant 48 : index
        %parallel_loop3A_343 = tpu.vector_load %arg14[%parallel_loop3A_341, %parallel_loop3A_342] {strides = array<i32>} : memref<80x128xf32, #tpu.memory_space<vmem>>, vector<16xf32>,
        tpu.vector_store %arg14[%parallel_loop3A_341, %parallel_loop3A_342], %parallel_loop3A_340 {strides = array<i32>} : memref<80x128xf32, #tpu.memory_space<vmem>>, vector<16xf32>,
        %parallel_loop3A_344 = arith.mulf %parallel_loop3A_290, %parallel_loop3A_327 : vector<16xf32>
        %parallel_loop3A_345 = arith.index_cast %parallel_loop3A_249 : i32 to index
        %parallel_loop3A_346 = arith.constant 64 : index
        %parallel_loop3A_347 = tpu.vector_load %arg14[%parallel_loop3A_345, %parallel_loop3A_346] {strides = array<i32>} : memref<80x128xf32, #tpu.memory_space<vmem>>, vector<16xf32>,
        tpu.vector_store %arg14[%parallel_loop3A_345, %parallel_loop3A_346], %parallel_loop3A_344 {strides = array<i32>} : memref<80x128xf32, #tpu.memory_space<vmem>>, vector<16xf32>,
        %parallel_loop3A_348 = arith.mulf %parallel_loop3A_293, %parallel_loop3A_327 : vector<16xf32>
        %parallel_loop3A_349 = arith.index_cast %parallel_loop3A_249 : i32 to index
        %parallel_loop3A_350 = arith.constant 80 : index
        %parallel_loop3A_351 = tpu.vector_load %arg14[%parallel_loop3A_349, %parallel_loop3A_350] {strides = array<i32>} : memref<80x128xf32, #tpu.memory_space<vmem>>, vector<16xf32>,
        tpu.vector_store %arg14[%parallel_loop3A_349, %parallel_loop3A_350], %parallel_loop3A_348 {strides = array<i32>} : memref<80x128xf32, #tpu.memory_space<vmem>>, vector<16xf32>,
        %parallel_loop3A_352 = arith.mulf %parallel_loop3A_296, %parallel_loop3A_327 : vector<16xf32>
        %parallel_loop3A_353 = arith.index_cast %parallel_loop3A_249 : i32 to index
        %parallel_loop3A_354 = arith.constant 96 : index
        %parallel_loop3A_355 = tpu.vector_load %arg14[%parallel_loop3A_353, %parallel_loop3A_354] {strides = array<i32>} : memref<80x128xf32, #tpu.memory_space<vmem>>, vector<16xf32>,
        tpu.vector_store %arg14[%parallel_loop3A_353, %parallel_loop3A_354], %parallel_loop3A_352 {strides = array<i32>} : memref<80x128xf32, #tpu.memory_space<vmem>>, vector<16xf32>,
        %parallel_loop3A_356 = arith.mulf %parallel_loop3A_299, %parallel_loop3A_327 : vector<16xf32>
        %parallel_loop3A_357 = arith.index_cast %parallel_loop3A_249 : i32 to index
        %parallel_loop3A_358 = arith.constant 112 : index
        %parallel_loop3A_359 = tpu.vector_load %arg14[%parallel_loop3A_357, %parallel_loop3A_358] {strides = array<i32>} : memref<80x128xf32, #tpu.memory_space<vmem>>, vector<16xf32>,
        tpu.vector_store %arg14[%parallel_loop3A_357, %parallel_loop3A_358], %parallel_loop3A_356 {strides = array<i32>} : memref<80x128xf32, #tpu.memory_space<vmem>>, vector<16xf32>,
        %parallel_loop3A_360 = arith.select %eq3A_42, %parallel_loop3A_327, %broadcast_in_dim3A_44 : vector<16xi1>, vector<16xf32>
        %parallel_loop3A_361 = arith.addf %parallel_loop3A_250, %parallel_loop3A_360 : vector<16xf32>
        scf.yield %parallel_loop3A_361 : vector<16xf32>
      } {sc.loop_unroll_factor = 1 : i64, sc.parallel_access}
      %get3A_169 = arith.constant 0 : index
      %get3A_170 = tpu.vector_load %arg8[%get3A_169] {strides = array<i32>} : memref<80xi32, #tpu.memory_space<vmem>>, vector<16xi32>,
      %swap3A_171 = arith.constant 0 : index
      %swap3A_172 = tpu.vector_load %arg20[%swap3A_171] {strides = array<i32>} : memref<80xi32, #tpu.memory_space<vmem>>, vector<16xi32>,
      tpu.vector_store %arg20[%swap3A_171], %get3A_170 {strides = array<i32>} : memref<80xi32, #tpu.memory_space<vmem>>, vector<16xi32>,
      %get3A_173 = arith.constant 16 : index
      %get3A_174 = tpu.vector_load %arg8[%get3A_173] {strides = array<i32>} : memref<80xi32, #tpu.memory_space<vmem>>, vector<16xi32>,
      %swap3A_175 = arith.constant 16 : index
      %swap3A_176 = tpu.vector_load %arg20[%swap3A_175] {strides = array<i32>} : memref<80xi32, #tpu.memory_space<vmem>>, vector<16xi32>,
      tpu.vector_store %arg20[%swap3A_175], %get3A_174 {strides = array<i32>} : memref<80xi32, #tpu.memory_space<vmem>>, vector<16xi32>,
      %get3A_177 = arith.constant 32 : index
      %get3A_178 = tpu.vector_load %arg8[%get3A_177] {strides = array<i32>} : memref<80xi32, #tpu.memory_space<vmem>>, vector<16xi32>,
      %swap3A_179 = arith.constant 32 : index
      %swap3A_180 = tpu.vector_load %arg20[%swap3A_179] {strides = array<i32>} : memref<80xi32, #tpu.memory_space<vmem>>, vector<16xi32>,
      tpu.vector_store %arg20[%swap3A_179], %get3A_178 {strides = array<i32>} : memref<80xi32, #tpu.memory_space<vmem>>, vector<16xi32>,
      %get3A_181 = arith.constant 48 : index
      %get3A_182 = tpu.vector_load %arg8[%get3A_181] {strides = array<i32>} : memref<80xi32, #tpu.memory_space<vmem>>, vector<16xi32>,
      %swap3A_183 = arith.constant 48 : index
      %swap3A_184 = tpu.vector_load %arg20[%swap3A_183] {strides = array<i32>} : memref<80xi32, #tpu.memory_space<vmem>>, vector<16xi32>,
      tpu.vector_store %arg20[%swap3A_183], %get3A_182 {strides = array<i32>} : memref<80xi32, #tpu.memory_space<vmem>>, vector<16xi32>,
      %get3A_185 = arith.constant 64 : index
      %get3A_186 = tpu.vector_load %arg8[%get3A_185] {strides = array<i32>} : memref<80xi32, #tpu.memory_space<vmem>>, vector<16xi32>,
      %swap3A_187 = arith.constant 64 : index
      %swap3A_188 = tpu.vector_load %arg20[%swap3A_187] {strides = array<i32>} : memref<80xi32, #tpu.memory_space<vmem>>, vector<16xi32>,
      tpu.vector_store %arg20[%swap3A_187], %get3A_186 {strides = array<i32>} : memref<80xi32, #tpu.memory_space<vmem>>, vector<16xi32>,
      %dma_start3A_189 = arith.constant 0 : i32
      %dma_start3A_190 = arith.constant 0 : i32
      %dma_start3A_191 = tpu.memref_slice %arg23[%dma_start3A_189, %dma_start3A_190] : memref<10240x128xf32, #tpu.memory_space<vmem_shared>> -> memref<10240x128xf32, #tpu.memory_space<vmem_shared>>
      tpu.enqueue_indirect_dma source(%arg14 : memref<80x128xf32, #tpu.memory_space<vmem>>) target(%dma_start3A_191 : memref<10240x128xf32, #tpu.memory_space<vmem_shared>>) offsets(%arg20 : memref<80xi32, #tpu.memory_space<vmem>>) semaphore(%arg28 : memref<!tpu.dma_semaphore, #tpu.memory_space<semaphore_mem>>) {add = true}
      %add3A_192 = arith.constant 2 : i32
      %add3A_193 = arith.addi %mul3A_134, %add3A_192 : i32
      %lt3A = arith.constant 125 : i32
      %lt3A_194 = arith.cmpi slt, %add3A_193, %lt3A : i32
      %convert_element_type3A_195 = arith.extui %lt3A_194 : i1 to i32
      %cond3A_196 = arith.constant 0 : i32
      %cond3A_197 = arith.cmpi ne, %convert_element_type3A_195, %cond3A_196 : i32
      scf.if %cond3A_197 {
        %add3A_249 = arith.constant 2 : i32
        %add3A_250 = arith.addi %mul3A_134, %add3A_249 : i32
        %mul3A_251 = arith.constant 80 : i32
        %mul3A_252 = arith.muli %add3A_250, %mul3A_251 : i32
        %add3A_253 = arith.addi %mul3A_40, %mul3A_252 : i32
        %dma_start3A_254 = tpu.memref_slice %arg3[%add3A_253] : memref<320000xi32, #tpu.memory_space<hbm>> -> memref<80xi32, #tpu.memory_space<hbm>>
        %dma_start3A_255 = tpu.memref_slice %arg3[%add3A_253] : memref<320000xi32, #tpu.memory_space<hbm>> -> memref<80xi32, #tpu.memory_space<hbm>>
        tpu.enqueue_dma source(%dma_start3A_255 : memref<80xi32, #tpu.memory_space<hbm>>) target(%arg8 : memref<80xi32, #tpu.memory_space<vmem>>) target_semaphore(%arg24 : memref<!tpu.dma_semaphore, #tpu.memory_space<semaphore_mem>>)
        %dma_start3A_256 = tpu.memref_slice %arg4[%add3A_253] : memref<320000xi32, #tpu.memory_space<hbm>> -> memref<80xi32, #tpu.memory_space<hbm>>
        %dma_start3A_257 = tpu.memref_slice %arg4[%add3A_253] : memref<320000xi32, #tpu.memory_space<hbm>> -> memref<80xi32, #tpu.memory_space<hbm>>
        tpu.enqueue_dma source(%dma_start3A_257 : memref<80xi32, #tpu.memory_space<hbm>>) target(%arg10 : memref<80xi32, #tpu.memory_space<vmem>>) target_semaphore(%arg24 : memref<!tpu.dma_semaphore, #tpu.memory_space<semaphore_mem>>)
      } else {
      }
      %dma_wait3A_198 = arith.constant 0 : i32
      %dma_wait3A_199 = arith.constant 0 : i32
      %dma_wait3A_200 = tpu.memref_slice %arg2[%dma_wait3A_198, %dma_wait3A_199] : memref<10000x128xf32, #tpu.memory_space<hbm>> -> memref<10000x128xf32, #tpu.memory_space<hbm>>
      tpu.wait_indirect_dma semaphore(%arg27 : memref<!tpu.dma_semaphore, #tpu.memory_space<semaphore_mem>>) src(%dma_wait3A_200 : memref<10000x128xf32, #tpu.memory_space<hbm>>) dst(%arg13 : memref<80x128xf32, #tpu.memory_space<vmem>>)
      %dma_wait3A_201 = arith.constant 0 : i32
      %dma_wait3A_202 = arith.constant 0 : i32
      %dma_wait3A_203 = tpu.memref_slice %arg2[%dma_wait3A_201, %dma_wait3A_202] : memref<10000x128xf32, #tpu.memory_space<hbm>> -> memref<10000x128xf32, #tpu.memory_space<hbm>>
      tpu.wait_indirect_dma semaphore(%arg27 : memref<!tpu.dma_semaphore, #tpu.memory_space<semaphore_mem>>) src(%dma_wait3A_203 : memref<10000x128xf32, #tpu.memory_space<hbm>>) dst(%arg15 : memref<80x128xf32, #tpu.memory_space<vmem>>)
      %dma_wait3A_204 = arith.constant 0 : i32
      %dma_wait3A_205 = tpu.memref_slice %arg5[%dma_wait3A_204] : memref<10000xf32, #tpu.memory_space<hbm>> -> memref<10000xf32, #tpu.memory_space<hbm>>
      tpu.wait_indirect_dma semaphore(%arg27 : memref<!tpu.dma_semaphore, #tpu.memory_space<semaphore_mem>>) src(%dma_wait3A_205 : memref<10000xf32, #tpu.memory_space<hbm>>) dst(%arg17 : memref<80xf32, #tpu.memory_space<vmem>>)
      %dma_wait3A_206 = arith.constant 0 : i32
      %dma_wait3A_207 = tpu.memref_slice %arg5[%dma_wait3A_206] : memref<10000xf32, #tpu.memory_space<hbm>> -> memref<10000xf32, #tpu.memory_space<hbm>>
      tpu.wait_indirect_dma semaphore(%arg27 : memref<!tpu.dma_semaphore, #tpu.memory_space<semaphore_mem>>) src(%dma_wait3A_207 : memref<10000xf32, #tpu.memory_space<hbm>>) dst(%arg19 : memref<80xf32, #tpu.memory_space<vmem>>)
      %add3A_208 = arith.constant 2 : i32
      %add3A_209 = arith.addi %mul3A_134, %add3A_208 : i32
      %lt3A_210 = arith.constant 125 : i32
      %lt3A_211 = arith.cmpi slt, %add3A_209, %lt3A_210 : i32
      %convert_element_type3A_212 = arith.extui %lt3A_211 : i1 to i32
      %cond3A_213 = arith.constant 0 : i32
      %cond3A_214 = arith.cmpi ne, %convert_element_type3A_212, %cond3A_213 : i32
      scf.if %cond3A_214 {
        %dma_wait3A_249 = arith.constant 0 : i32
        %dma_wait3A_250 = arith.constant 0 : i32
        %dma_wait3A_251 = tpu.memref_slice %arg23[%dma_wait3A_249, %dma_wait3A_250] : memref<10240x128xf32, #tpu.memory_space<vmem_shared>> -> memref<10240x128xf32, #tpu.memory_space<vmem_shared>>
        tpu.wait_indirect_dma semaphore(%arg28 : memref<!tpu.dma_semaphore, #tpu.memory_space<semaphore_mem>>) src(%arg14 : memref<80x128xf32, #tpu.memory_space<vmem>>) dst(%dma_wait3A_251 : memref<10240x128xf32, #tpu.memory_space<vmem_shared>>)
        %dma_wait3A_252 = arith.constant 0 : i32
        %dma_wait3A_253 = tpu.memref_slice %arg3[%dma_wait3A_252] : memref<320000xi32, #tpu.memory_space<hbm>> -> memref<80xi32, #tpu.memory_space<hbm>>
        %dma_wait3A_254 = arith.constant 0 : i32
        %dma_wait3A_255 = tpu.memref_slice %arg3[%dma_wait3A_254] : memref<320000xi32, #tpu.memory_space<hbm>> -> memref<80xi32, #tpu.memory_space<hbm>>
        tpu.wait_dma2 semaphore(%arg24 : memref<!tpu.dma_semaphore, #tpu.memory_space<semaphore_mem>>) src(%dma_wait3A_255 : memref<80xi32, #tpu.memory_space<hbm>>) dst(%arg8 : memref<80xi32, #tpu.memory_space<vmem>>)
        %dma_wait3A_256 = arith.constant 0 : i32
        %dma_wait3A_257 = tpu.memref_slice %arg4[%dma_wait3A_256] : memref<320000xi32, #tpu.memory_space<hbm>> -> memref<80xi32, #tpu.memory_space<hbm>>
        %dma_wait3A_258 = arith.constant 0 : i32
        %dma_wait3A_259 = tpu.memref_slice %arg4[%dma_wait3A_258] : memref<320000xi32, #tpu.memory_space<hbm>> -> memref<80xi32, #tpu.memory_space<hbm>>
        tpu.wait_dma2 semaphore(%arg24 : memref<!tpu.dma_semaphore, #tpu.memory_space<semaphore_mem>>) src(%dma_wait3A_259 : memref<80xi32, #tpu.memory_space<hbm>>) dst(%arg10 : memref<80xi32, #tpu.memory_space<vmem>>)
        %dma_start3A_260 = arith.constant 0 : i32
        %dma_start3A_261 = arith.constant 0 : i32
        %dma_start3A_262 = tpu.memref_slice %arg2[%dma_start3A_260, %dma_start3A_261] : memref<10000x128xf32, #tpu.memory_space<hbm>> -> memref<10000x128xf32, #tpu.memory_space<hbm>>
        tpu.enqueue_indirect_dma source(%dma_start3A_262 : memref<10000x128xf32, #tpu.memory_space<hbm>>) target(%arg12 : memref<80x128xf32, #tpu.memory_space<vmem>>) offsets(%arg8 : memref<80xi32, #tpu.memory_space<vmem>>) semaphore(%arg26 : memref<!tpu.dma_semaphore, #tpu.memory_space<semaphore_mem>>)
        %dma_start3A_263 = arith.constant 0 : i32
        %dma_start3A_264 = arith.constant 0 : i32
        %dma_start3A_265 = tpu.memref_slice %arg2[%dma_start3A_263, %dma_start3A_264] : memref<10000x128xf32, #tpu.memory_space<hbm>> -> memref<10000x128xf32, #tpu.memory_space<hbm>>
        tpu.enqueue_indirect_dma source(%dma_start3A_265 : memref<10000x128xf32, #tpu.memory_space<hbm>>) target(%arg14 : memref<80x128xf32, #tpu.memory_space<vmem>>) offsets(%arg10 : memref<80xi32, #tpu.memory_space<vmem>>) semaphore(%arg26 : memref<!tpu.dma_semaphore, #tpu.memory_space<semaphore_mem>>)
        %dma_start3A_266 = arith.constant 0 : i32
        %dma_start3A_267 = tpu.memref_slice %arg5[%dma_start3A_266] : memref<10000xf32, #tpu.memory_space<hbm>> -> memref<10000xf32, #tpu.memory_space<hbm>>
        tpu.enqueue_indirect_dma source(%dma_start3A_267 : memref<10000xf32, #tpu.memory_space<hbm>>) target(%arg16 : memref<80xf32, #tpu.memory_space<vmem>>) offsets(%arg8 : memref<80xi32, #tpu.memory_space<vmem>>) semaphore(%arg26 : memref<!tpu.dma_semaphore, #tpu.memory_space<semaphore_mem>>)
        %dma_start3A_268 = arith.constant 0 : i32
        %dma_start3A_269 = tpu.memref_slice %arg5[%dma_start3A_268] : memref<10000xf32, #tpu.memory_space<hbm>> -> memref<10000xf32, #tpu.memory_space<hbm>>
        tpu.enqueue_indirect_dma source(%dma_start3A_269 : memref<10000xf32, #tpu.memory_space<hbm>>) target(%arg18 : memref<80xf32, #tpu.memory_space<vmem>>) offsets(%arg10 : memref<80xi32, #tpu.memory_space<vmem>>) semaphore(%arg26 : memref<!tpu.dma_semaphore, #tpu.memory_space<semaphore_mem>>)
      } else {
      }
      %parallel_loop3A_215 = arith.constant 0 : i32
      %parallel_loop3A_216 = arith.constant 80 : i32
      %parallel_loop3A_217 = arith.constant 1 : i32
      %parallel_loop3A_218 = scf.for %parallel_loop3A_249 = %parallel_loop3A_215 to %parallel_loop3A_216 step %parallel_loop3A_217 iter_args(%parallel_loop3A_250 = %parallel_loop3A_168) -> (vector<16xf32>)  : i32 {
        %parallel_loop3A_251 = vector.broadcast %parallel_loop3A_249 : i32 to vector<16xi32>
        %parallel_loop3A_252 = arith.index_cast %parallel_loop3A_249 : i32 to index
        %parallel_loop3A_253 = arith.constant 0 : index
        %parallel_loop3A_254 = tpu.vector_load %arg13[%parallel_loop3A_252, %parallel_loop3A_253] {strides = array<i32>} : memref<80x128xf32, #tpu.memory_space<vmem>>, vector<16xf32>,
        %parallel_loop3A_255 = arith.index_cast %parallel_loop3A_249 : i32 to index
        %parallel_loop3A_256 = arith.constant 16 : index
        %parallel_loop3A_257 = tpu.vector_load %arg13[%parallel_loop3A_255, %parallel_loop3A_256] {strides = array<i32>} : memref<80x128xf32, #tpu.memory_space<vmem>>, vector<16xf32>,
        %parallel_loop3A_258 = arith.index_cast %parallel_loop3A_249 : i32 to index
        %parallel_loop3A_259 = arith.constant 32 : index
        %parallel_loop3A_260 = tpu.vector_load %arg13[%parallel_loop3A_258, %parallel_loop3A_259] {strides = array<i32>} : memref<80x128xf32, #tpu.memory_space<vmem>>, vector<16xf32>,
        %parallel_loop3A_261 = arith.index_cast %parallel_loop3A_249 : i32 to index
        %parallel_loop3A_262 = arith.constant 48 : index
        %parallel_loop3A_263 = tpu.vector_load %arg13[%parallel_loop3A_261, %parallel_loop3A_262] {strides = array<i32>} : memref<80x128xf32, #tpu.memory_space<vmem>>, vector<16xf32>,
        %parallel_loop3A_264 = arith.index_cast %parallel_loop3A_249 : i32 to index
        %parallel_loop3A_265 = arith.constant 64 : index
        %parallel_loop3A_266 = tpu.vector_load %arg13[%parallel_loop3A_264, %parallel_loop3A_265] {strides = array<i32>} : memref<80x128xf32, #tpu.memory_space<vmem>>, vector<16xf32>,
        %parallel_loop3A_267 = arith.index_cast %parallel_loop3A_249 : i32 to index
        %parallel_loop3A_268 = arith.constant 80 : index
        %parallel_loop3A_269 = tpu.vector_load %arg13[%parallel_loop3A_267, %parallel_loop3A_268] {strides = array<i32>} : memref<80x128xf32, #tpu.memory_space<vmem>>, vector<16xf32>,
        %parallel_loop3A_270 = arith.index_cast %parallel_loop3A_249 : i32 to index
        %parallel_loop3A_271 = arith.constant 96 : index
        %parallel_loop3A_272 = tpu.vector_load %arg13[%parallel_loop3A_270, %parallel_loop3A_271] {strides = array<i32>} : memref<80x128xf32, #tpu.memory_space<vmem>>, vector<16xf32>,
        %parallel_loop3A_273 = arith.index_cast %parallel_loop3A_249 : i32 to index
        %parallel_loop3A_274 = arith.constant 112 : index
        %parallel_loop3A_275 = tpu.vector_load %arg13[%parallel_loop3A_273, %parallel_loop3A_274] {strides = array<i32>} : memref<80x128xf32, #tpu.memory_space<vmem>>, vector<16xf32>,
        %parallel_loop3A_276 = arith.index_cast %parallel_loop3A_249 : i32 to index
        %parallel_loop3A_277 = arith.constant 0 : index
        %parallel_loop3A_278 = tpu.vector_load %arg15[%parallel_loop3A_276, %parallel_loop3A_277] {strides = array<i32>} : memref<80x128xf32, #tpu.memory_space<vmem>>, vector<16xf32>,
        %parallel_loop3A_279 = arith.index_cast %parallel_loop3A_249 : i32 to index
        %parallel_loop3A_280 = arith.constant 16 : index
        %parallel_loop3A_281 = tpu.vector_load %arg15[%parallel_loop3A_279, %parallel_loop3A_280] {strides = array<i32>} : memref<80x128xf32, #tpu.memory_space<vmem>>, vector<16xf32>,
        %parallel_loop3A_282 = arith.index_cast %parallel_loop3A_249 : i32 to index
        %parallel_loop3A_283 = arith.constant 32 : index
        %parallel_loop3A_284 = tpu.vector_load %arg15[%parallel_loop3A_282, %parallel_loop3A_283] {strides = array<i32>} : memref<80x128xf32, #tpu.memory_space<vmem>>, vector<16xf32>,
        %parallel_loop3A_285 = arith.index_cast %parallel_loop3A_249 : i32 to index
        %parallel_loop3A_286 = arith.constant 48 : index
        %parallel_loop3A_287 = tpu.vector_load %arg15[%parallel_loop3A_285, %parallel_loop3A_286] {strides = array<i32>} : memref<80x128xf32, #tpu.memory_space<vmem>>, vector<16xf32>,
        %parallel_loop3A_288 = arith.index_cast %parallel_loop3A_249 : i32 to index
        %parallel_loop3A_289 = arith.constant 64 : index
        %parallel_loop3A_290 = tpu.vector_load %arg15[%parallel_loop3A_288, %parallel_loop3A_289] {strides = array<i32>} : memref<80x128xf32, #tpu.memory_space<vmem>>, vector<16xf32>,
        %parallel_loop3A_291 = arith.index_cast %parallel_loop3A_249 : i32 to index
        %parallel_loop3A_292 = arith.constant 80 : index
        %parallel_loop3A_293 = tpu.vector_load %arg15[%parallel_loop3A_291, %parallel_loop3A_292] {strides = array<i32>} : memref<80x128xf32, #tpu.memory_space<vmem>>, vector<16xf32>,
        %parallel_loop3A_294 = arith.index_cast %parallel_loop3A_249 : i32 to index
        %parallel_loop3A_295 = arith.constant 96 : index
        %parallel_loop3A_296 = tpu.vector_load %arg15[%parallel_loop3A_294, %parallel_loop3A_295] {strides = array<i32>} : memref<80x128xf32, #tpu.memory_space<vmem>>, vector<16xf32>,
        %parallel_loop3A_297 = arith.index_cast %parallel_loop3A_249 : i32 to index
        %parallel_loop3A_298 = arith.constant 112 : index
        %parallel_loop3A_299 = tpu.vector_load %arg15[%parallel_loop3A_297, %parallel_loop3A_298] {strides = array<i32>} : memref<80x128xf32, #tpu.memory_space<vmem>>, vector<16xf32>,
        %parallel_loop3A_300 = arith.mulf %parallel_loop3A_254, %parallel_loop3A_278 : vector<16xf32>
        %parallel_loop3A_301 = arith.mulf %parallel_loop3A_257, %parallel_loop3A_281 : vector<16xf32>
        %parallel_loop3A_302 = arith.mulf %parallel_loop3A_260, %parallel_loop3A_284 : vector<16xf32>
        %parallel_loop3A_303 = arith.mulf %parallel_loop3A_263, %parallel_loop3A_287 : vector<16xf32>
        %parallel_loop3A_304 = arith.mulf %parallel_loop3A_266, %parallel_loop3A_290 : vector<16xf32>
        %parallel_loop3A_305 = arith.mulf %parallel_loop3A_269, %parallel_loop3A_293 : vector<16xf32>
        %parallel_loop3A_306 = arith.mulf %parallel_loop3A_272, %parallel_loop3A_296 : vector<16xf32>
        %parallel_loop3A_307 = arith.mulf %parallel_loop3A_275, %parallel_loop3A_299 : vector<16xf32>
        %parallel_loop3A_308 = arith.addf %parallel_loop3A_300, %parallel_loop3A_301 : vector<16xf32>
        %parallel_loop3A_309 = arith.addf %parallel_loop3A_302, %parallel_loop3A_303 : vector<16xf32>
        %parallel_loop3A_310 = arith.addf %parallel_loop3A_308, %parallel_loop3A_309 : vector<16xf32>
        %parallel_loop3A_311 = arith.addf %parallel_loop3A_304, %parallel_loop3A_305 : vector<16xf32>
        %parallel_loop3A_312 = arith.addf %parallel_loop3A_306, %parallel_loop3A_307 : vector<16xf32>
        %parallel_loop3A_313 = arith.addf %parallel_loop3A_311, %parallel_loop3A_312 : vector<16xf32>
        %parallel_loop3A_314 = arith.addf %parallel_loop3A_310, %parallel_loop3A_313 : vector<16xf32>
        %parallel_loop3A_315 = arith.constant true
        %parallel_loop3A_316 = vector.broadcast %parallel_loop3A_315 : i1 to vector<16xi1>
        %parallel_loop3A_317 = tpu.scan <sum>, %parallel_loop3A_314 masked %parallel_loop3A_316 : vector<16xf32>, vector<16xi1> -> vector<16xf32>
        %parallel_loop3A_318 = vector.extract %parallel_loop3A_317[15] : f32 from vector<16xf32>
        %parallel_loop3A_319 = tpu.vector_load_idx %arg17[%parallel_loop3A_251] : memref<80xf32, #tpu.memory_space<vmem>>[vector<16xi32>], vector<16xf32>,
        %parallel_loop3A_320 = tpu.vector_load_idx %arg19[%parallel_loop3A_251] : memref<80xf32, #tpu.memory_space<vmem>>[vector<16xi32>], vector<16xf32>,
        %parallel_loop3A_321 = vector.broadcast %parallel_loop3A_318 : f32 to vector<16xf32>
        %parallel_loop3A_322 = arith.mulf %parallel_loop3A_321, %parallel_loop3A_319 : vector<16xf32>
        %parallel_loop3A_323 = arith.mulf %parallel_loop3A_322, %parallel_loop3A_320 : vector<16xf32>
        %parallel_loop3A_324 = arith.constant 1.000000e+00 : f32
        %parallel_loop3A_325 = vector.broadcast %parallel_loop3A_324 : f32 to vector<16xf32>
        %parallel_loop3A_326 = arith.subf %parallel_loop3A_323, %parallel_loop3A_325 : vector<16xf32>
        %parallel_loop3A_327 = math.exp %parallel_loop3A_326 : vector<16xf32>
        %parallel_loop3A_328 = arith.mulf %parallel_loop3A_278, %parallel_loop3A_327 : vector<16xf32>
        %parallel_loop3A_329 = arith.index_cast %parallel_loop3A_249 : i32 to index
        %parallel_loop3A_330 = arith.constant 0 : index
        %parallel_loop3A_331 = tpu.vector_load %arg15[%parallel_loop3A_329, %parallel_loop3A_330] {strides = array<i32>} : memref<80x128xf32, #tpu.memory_space<vmem>>, vector<16xf32>,
        tpu.vector_store %arg15[%parallel_loop3A_329, %parallel_loop3A_330], %parallel_loop3A_328 {strides = array<i32>} : memref<80x128xf32, #tpu.memory_space<vmem>>, vector<16xf32>,
        %parallel_loop3A_332 = arith.mulf %parallel_loop3A_281, %parallel_loop3A_327 : vector<16xf32>
        %parallel_loop3A_333 = arith.index_cast %parallel_loop3A_249 : i32 to index
        %parallel_loop3A_334 = arith.constant 16 : index
        %parallel_loop3A_335 = tpu.vector_load %arg15[%parallel_loop3A_333, %parallel_loop3A_334] {strides = array<i32>} : memref<80x128xf32, #tpu.memory_space<vmem>>, vector<16xf32>,
        tpu.vector_store %arg15[%parallel_loop3A_333, %parallel_loop3A_334], %parallel_loop3A_332 {strides = array<i32>} : memref<80x128xf32, #tpu.memory_space<vmem>>, vector<16xf32>,
        %parallel_loop3A_336 = arith.mulf %parallel_loop3A_284, %parallel_loop3A_327 : vector<16xf32>
        %parallel_loop3A_337 = arith.index_cast %parallel_loop3A_249 : i32 to index
        %parallel_loop3A_338 = arith.constant 32 : index
        %parallel_loop3A_339 = tpu.vector_load %arg15[%parallel_loop3A_337, %parallel_loop3A_338] {strides = array<i32>} : memref<80x128xf32, #tpu.memory_space<vmem>>, vector<16xf32>,
        tpu.vector_store %arg15[%parallel_loop3A_337, %parallel_loop3A_338], %parallel_loop3A_336 {strides = array<i32>} : memref<80x128xf32, #tpu.memory_space<vmem>>, vector<16xf32>,
        %parallel_loop3A_340 = arith.mulf %parallel_loop3A_287, %parallel_loop3A_327 : vector<16xf32>
        %parallel_loop3A_341 = arith.index_cast %parallel_loop3A_249 : i32 to index
        %parallel_loop3A_342 = arith.constant 48 : index
        %parallel_loop3A_343 = tpu.vector_load %arg15[%parallel_loop3A_341, %parallel_loop3A_342] {strides = array<i32>} : memref<80x128xf32, #tpu.memory_space<vmem>>, vector<16xf32>,
        tpu.vector_store %arg15[%parallel_loop3A_341, %parallel_loop3A_342], %parallel_loop3A_340 {strides = array<i32>} : memref<80x128xf32, #tpu.memory_space<vmem>>, vector<16xf32>,
        %parallel_loop3A_344 = arith.mulf %parallel_loop3A_290, %parallel_loop3A_327 : vector<16xf32>
        %parallel_loop3A_345 = arith.index_cast %parallel_loop3A_249 : i32 to index
        %parallel_loop3A_346 = arith.constant 64 : index
        %parallel_loop3A_347 = tpu.vector_load %arg15[%parallel_loop3A_345, %parallel_loop3A_346] {strides = array<i32>} : memref<80x128xf32, #tpu.memory_space<vmem>>, vector<16xf32>,
        tpu.vector_store %arg15[%parallel_loop3A_345, %parallel_loop3A_346], %parallel_loop3A_344 {strides = array<i32>} : memref<80x128xf32, #tpu.memory_space<vmem>>, vector<16xf32>,
        %parallel_loop3A_348 = arith.mulf %parallel_loop3A_293, %parallel_loop3A_327 : vector<16xf32>
        %parallel_loop3A_349 = arith.index_cast %parallel_loop3A_249 : i32 to index
        %parallel_loop3A_350 = arith.constant 80 : index
        %parallel_loop3A_351 = tpu.vector_load %arg15[%parallel_loop3A_349, %parallel_loop3A_350] {strides = array<i32>} : memref<80x128xf32, #tpu.memory_space<vmem>>, vector<16xf32>,
        tpu.vector_store %arg15[%parallel_loop3A_349, %parallel_loop3A_350], %parallel_loop3A_348 {strides = array<i32>} : memref<80x128xf32, #tpu.memory_space<vmem>>, vector<16xf32>,
        %parallel_loop3A_352 = arith.mulf %parallel_loop3A_296, %parallel_loop3A_327 : vector<16xf32>
        %parallel_loop3A_353 = arith.index_cast %parallel_loop3A_249 : i32 to index
        %parallel_loop3A_354 = arith.constant 96 : index
        %parallel_loop3A_355 = tpu.vector_load %arg15[%parallel_loop3A_353, %parallel_loop3A_354] {strides = array<i32>} : memref<80x128xf32, #tpu.memory_space<vmem>>, vector<16xf32>,
        tpu.vector_store %arg15[%parallel_loop3A_353, %parallel_loop3A_354], %parallel_loop3A_352 {strides = array<i32>} : memref<80x128xf32, #tpu.memory_space<vmem>>, vector<16xf32>,
        %parallel_loop3A_356 = arith.mulf %parallel_loop3A_299, %parallel_loop3A_327 : vector<16xf32>
        %parallel_loop3A_357 = arith.index_cast %parallel_loop3A_249 : i32 to index
        %parallel_loop3A_358 = arith.constant 112 : index
        %parallel_loop3A_359 = tpu.vector_load %arg15[%parallel_loop3A_357, %parallel_loop3A_358] {strides = array<i32>} : memref<80x128xf32, #tpu.memory_space<vmem>>, vector<16xf32>,
        tpu.vector_store %arg15[%parallel_loop3A_357, %parallel_loop3A_358], %parallel_loop3A_356 {strides = array<i32>} : memref<80x128xf32, #tpu.memory_space<vmem>>, vector<16xf32>,
        %parallel_loop3A_360 = arith.select %eq3A_42, %parallel_loop3A_327, %broadcast_in_dim3A_44 : vector<16xi1>, vector<16xf32>
        %parallel_loop3A_361 = arith.addf %parallel_loop3A_250, %parallel_loop3A_360 : vector<16xf32>
        scf.yield %parallel_loop3A_361 : vector<16xf32>
      } {sc.loop_unroll_factor = 1 : i64, sc.parallel_access}
      %get3A_219 = arith.constant 0 : index
      %get3A_220 = tpu.vector_load %arg9[%get3A_219] {strides = array<i32>} : memref<80xi32, #tpu.memory_space<vmem>>, vector<16xi32>,
      %swap3A_221 = arith.constant 0 : index
      %swap3A_222 = tpu.vector_load %arg21[%swap3A_221] {strides = array<i32>} : memref<80xi32, #tpu.memory_space<vmem>>, vector<16xi32>,
      tpu.vector_store %arg21[%swap3A_221], %get3A_220 {strides = array<i32>} : memref<80xi32, #tpu.memory_space<vmem>>, vector<16xi32>,
      %get3A_223 = arith.constant 16 : index
      %get3A_224 = tpu.vector_load %arg9[%get3A_223] {strides = array<i32>} : memref<80xi32, #tpu.memory_space<vmem>>, vector<16xi32>,
      %swap3A_225 = arith.constant 16 : index
      %swap3A_226 = tpu.vector_load %arg21[%swap3A_225] {strides = array<i32>} : memref<80xi32, #tpu.memory_space<vmem>>, vector<16xi32>,
      tpu.vector_store %arg21[%swap3A_225], %get3A_224 {strides = array<i32>} : memref<80xi32, #tpu.memory_space<vmem>>, vector<16xi32>,
      %get3A_227 = arith.constant 32 : index
      %get3A_228 = tpu.vector_load %arg9[%get3A_227] {strides = array<i32>} : memref<80xi32, #tpu.memory_space<vmem>>, vector<16xi32>,
      %swap3A_229 = arith.constant 32 : index
      %swap3A_230 = tpu.vector_load %arg21[%swap3A_229] {strides = array<i32>} : memref<80xi32, #tpu.memory_space<vmem>>, vector<16xi32>,
      tpu.vector_store %arg21[%swap3A_229], %get3A_228 {strides = array<i32>} : memref<80xi32, #tpu.memory_space<vmem>>, vector<16xi32>,
      %get3A_231 = arith.constant 48 : index
      %get3A_232 = tpu.vector_load %arg9[%get3A_231] {strides = array<i32>} : memref<80xi32, #tpu.memory_space<vmem>>, vector<16xi32>,
      %swap3A_233 = arith.constant 48 : index
      %swap3A_234 = tpu.vector_load %arg21[%swap3A_233] {strides = array<i32>} : memref<80xi32, #tpu.memory_space<vmem>>, vector<16xi32>,
      tpu.vector_store %arg21[%swap3A_233], %get3A_232 {strides = array<i32>} : memref<80xi32, #tpu.memory_space<vmem>>, vector<16xi32>,
      %get3A_235 = arith.constant 64 : index
      %get3A_236 = tpu.vector_load %arg9[%get3A_235] {strides = array<i32>} : memref<80xi32, #tpu.memory_space<vmem>>, vector<16xi32>,
      %swap3A_237 = arith.constant 64 : index
      %swap3A_238 = tpu.vector_load %arg21[%swap3A_237] {strides = array<i32>} : memref<80xi32, #tpu.memory_space<vmem>>, vector<16xi32>,
      tpu.vector_store %arg21[%swap3A_237], %get3A_236 {strides = array<i32>} : memref<80xi32, #tpu.memory_space<vmem>>, vector<16xi32>,
      %dma_start3A_239 = arith.constant 0 : i32
      %dma_start3A_240 = arith.constant 0 : i32
      %dma_start3A_241 = tpu.memref_slice %arg23[%dma_start3A_239, %dma_start3A_240] : memref<10240x128xf32, #tpu.memory_space<vmem_shared>> -> memref<10240x128xf32, #tpu.memory_space<vmem_shared>>
      tpu.enqueue_indirect_dma source(%arg15 : memref<80x128xf32, #tpu.memory_space<vmem>>) target(%dma_start3A_241 : memref<10240x128xf32, #tpu.memory_space<vmem_shared>>) offsets(%arg21 : memref<80xi32, #tpu.memory_space<vmem>>) semaphore(%arg29 : memref<!tpu.dma_semaphore, #tpu.memory_space<semaphore_mem>>) {add = true}
      %add3A_242 = arith.constant 3 : i32
      %add3A_243 = arith.addi %mul3A_134, %add3A_242 : i32
      %lt3A_244 = arith.constant 125 : i32
      %lt3A_245 = arith.cmpi slt, %add3A_243, %lt3A_244 : i32
      %convert_element_type3A_246 = arith.extui %lt3A_245 : i1 to i32
      %cond3A_247 = arith.constant 0 : i32
      %cond3A_248 = arith.cmpi ne, %convert_element_type3A_246, %cond3A_247 : i32
      scf.if %cond3A_248 {
        %add3A_249 = arith.constant 3 : i32
        %add3A_250 = arith.addi %mul3A_134, %add3A_249 : i32
        %mul3A_251 = arith.constant 80 : i32
        %mul3A_252 = arith.muli %add3A_250, %mul3A_251 : i32
        %add3A_253 = arith.addi %mul3A_40, %mul3A_252 : i32
        %dma_start3A_254 = tpu.memref_slice %arg3[%add3A_253] : memref<320000xi32, #tpu.memory_space<hbm>> -> memref<80xi32, #tpu.memory_space<hbm>>
        %dma_start3A_255 = tpu.memref_slice %arg3[%add3A_253] : memref<320000xi32, #tpu.memory_space<hbm>> -> memref<80xi32, #tpu.memory_space<hbm>>
        tpu.enqueue_dma source(%dma_start3A_255 : memref<80xi32, #tpu.memory_space<hbm>>) target(%arg9 : memref<80xi32, #tpu.memory_space<vmem>>) target_semaphore(%arg25 : memref<!tpu.dma_semaphore, #tpu.memory_space<semaphore_mem>>)
        %dma_start3A_256 = tpu.memref_slice %arg4[%add3A_253] : memref<320000xi32, #tpu.memory_space<hbm>> -> memref<80xi32, #tpu.memory_space<hbm>>
        %dma_start3A_257 = tpu.memref_slice %arg4[%add3A_253] : memref<320000xi32, #tpu.memory_space<hbm>> -> memref<80xi32, #tpu.memory_space<hbm>>
        tpu.enqueue_dma source(%dma_start3A_257 : memref<80xi32, #tpu.memory_space<hbm>>) target(%arg11 : memref<80xi32, #tpu.memory_space<vmem>>) target_semaphore(%arg25 : memref<!tpu.dma_semaphore, #tpu.memory_space<semaphore_mem>>)
      } else {
      }
      scf.yield %parallel_loop3A_218 : vector<16xf32>
    }
    %scan3A_80 = arith.constant 62 : i32
    %dma_wait3A_81 = arith.constant 0 : i32
    %dma_wait3A_82 = arith.constant 0 : i32
    %dma_wait3A_83 = tpu.memref_slice %arg2[%dma_wait3A_81, %dma_wait3A_82] : memref<10000x128xf32, #tpu.memory_space<hbm>> -> memref<10000x128xf32, #tpu.memory_space<hbm>>
    tpu.wait_indirect_dma semaphore(%arg26 : memref<!tpu.dma_semaphore, #tpu.memory_space<semaphore_mem>>) src(%dma_wait3A_83 : memref<10000x128xf32, #tpu.memory_space<hbm>>) dst(%arg12 : memref<80x128xf32, #tpu.memory_space<vmem>>)
    %dma_wait3A_84 = arith.constant 0 : i32
    %dma_wait3A_85 = arith.constant 0 : i32
    %dma_wait3A_86 = tpu.memref_slice %arg2[%dma_wait3A_84, %dma_wait3A_85] : memref<10000x128xf32, #tpu.memory_space<hbm>> -> memref<10000x128xf32, #tpu.memory_space<hbm>>
    tpu.wait_indirect_dma semaphore(%arg26 : memref<!tpu.dma_semaphore, #tpu.memory_space<semaphore_mem>>) src(%dma_wait3A_86 : memref<10000x128xf32, #tpu.memory_space<hbm>>) dst(%arg14 : memref<80x128xf32, #tpu.memory_space<vmem>>)
    %dma_wait3A_87 = arith.constant 0 : i32
    %dma_wait3A_88 = tpu.memref_slice %arg5[%dma_wait3A_87] : memref<10000xf32, #tpu.memory_space<hbm>> -> memref<10000xf32, #tpu.memory_space<hbm>>
    tpu.wait_indirect_dma semaphore(%arg26 : memref<!tpu.dma_semaphore, #tpu.memory_space<semaphore_mem>>) src(%dma_wait3A_88 : memref<10000xf32, #tpu.memory_space<hbm>>) dst(%arg16 : memref<80xf32, #tpu.memory_space<vmem>>)
    %dma_wait3A_89 = arith.constant 0 : i32
    %dma_wait3A_90 = tpu.memref_slice %arg5[%dma_wait3A_89] : memref<10000xf32, #tpu.memory_space<hbm>> -> memref<10000xf32, #tpu.memory_space<hbm>>
    tpu.wait_indirect_dma semaphore(%arg26 : memref<!tpu.dma_semaphore, #tpu.memory_space<semaphore_mem>>) src(%dma_wait3A_90 : memref<10000xf32, #tpu.memory_space<hbm>>) dst(%arg18 : memref<80xf32, #tpu.memory_space<vmem>>)
    %parallel_loop3A = arith.constant 0 : i32
    %parallel_loop3A_91 = arith.constant 80 : i32
    %parallel_loop3A_92 = arith.constant 1 : i32
    %parallel_loop3A_93 = scf.for %parallel_loop3A_131 = %parallel_loop3A to %parallel_loop3A_91 step %parallel_loop3A_92 iter_args(%parallel_loop3A_132 = %scan3A_79) -> (vector<16xf32>)  : i32 {
      %parallel_loop3A_133 = vector.broadcast %parallel_loop3A_131 : i32 to vector<16xi32>
      %parallel_loop3A_134 = arith.index_cast %parallel_loop3A_131 : i32 to index
      %parallel_loop3A_135 = arith.constant 0 : index
      %parallel_loop3A_136 = tpu.vector_load %arg12[%parallel_loop3A_134, %parallel_loop3A_135] {strides = array<i32>} : memref<80x128xf32, #tpu.memory_space<vmem>>, vector<16xf32>,
      %parallel_loop3A_137 = arith.index_cast %parallel_loop3A_131 : i32 to index
      %parallel_loop3A_138 = arith.constant 16 : index
      %parallel_loop3A_139 = tpu.vector_load %arg12[%parallel_loop3A_137, %parallel_loop3A_138] {strides = array<i32>} : memref<80x128xf32, #tpu.memory_space<vmem>>, vector<16xf32>,
      %parallel_loop3A_140 = arith.index_cast %parallel_loop3A_131 : i32 to index
      %parallel_loop3A_141 = arith.constant 32 : index
      %parallel_loop3A_142 = tpu.vector_load %arg12[%parallel_loop3A_140, %parallel_loop3A_141] {strides = array<i32>} : memref<80x128xf32, #tpu.memory_space<vmem>>, vector<16xf32>,
      %parallel_loop3A_143 = arith.index_cast %parallel_loop3A_131 : i32 to index
      %parallel_loop3A_144 = arith.constant 48 : index
      %parallel_loop3A_145 = tpu.vector_load %arg12[%parallel_loop3A_143, %parallel_loop3A_144] {strides = array<i32>} : memref<80x128xf32, #tpu.memory_space<vmem>>, vector<16xf32>,
      %parallel_loop3A_146 = arith.index_cast %parallel_loop3A_131 : i32 to index
      %parallel_loop3A_147 = arith.constant 64 : index
      %parallel_loop3A_148 = tpu.vector_load %arg12[%parallel_loop3A_146, %parallel_loop3A_147] {strides = array<i32>} : memref<80x128xf32, #tpu.memory_space<vmem>>, vector<16xf32>,
      %parallel_loop3A_149 = arith.index_cast %parallel_loop3A_131 : i32 to index
      %parallel_loop3A_150 = arith.constant 80 : index
      %parallel_loop3A_151 = tpu.vector_load %arg12[%parallel_loop3A_149, %parallel_loop3A_150] {strides = array<i32>} : memref<80x128xf32, #tpu.memory_space<vmem>>, vector<16xf32>,
      %parallel_loop3A_152 = arith.index_cast %parallel_loop3A_131 : i32 to index
      %parallel_loop3A_153 = arith.constant 96 : index
      %parallel_loop3A_154 = tpu.vector_load %arg12[%parallel_loop3A_152, %parallel_loop3A_153] {strides = array<i32>} : memref<80x128xf32, #tpu.memory_space<vmem>>, vector<16xf32>,
      %parallel_loop3A_155 = arith.index_cast %parallel_loop3A_131 : i32 to index
      %parallel_loop3A_156 = arith.constant 112 : index
      %parallel_loop3A_157 = tpu.vector_load %arg12[%parallel_loop3A_155, %parallel_loop3A_156] {strides = array<i32>} : memref<80x128xf32, #tpu.memory_space<vmem>>, vector<16xf32>,
      %parallel_loop3A_158 = arith.index_cast %parallel_loop3A_131 : i32 to index
      %parallel_loop3A_159 = arith.constant 0 : index
      %parallel_loop3A_160 = tpu.vector_load %arg14[%parallel_loop3A_158, %parallel_loop3A_159] {strides = array<i32>} : memref<80x128xf32, #tpu.memory_space<vmem>>, vector<16xf32>,
      %parallel_loop3A_161 = arith.index_cast %parallel_loop3A_131 : i32 to index
      %parallel_loop3A_162 = arith.constant 16 : index
      %parallel_loop3A_163 = tpu.vector_load %arg14[%parallel_loop3A_161, %parallel_loop3A_162] {strides = array<i32>} : memref<80x128xf32, #tpu.memory_space<vmem>>, vector<16xf32>,
      %parallel_loop3A_164 = arith.index_cast %parallel_loop3A_131 : i32 to index
      %parallel_loop3A_165 = arith.constant 32 : index
      %parallel_loop3A_166 = tpu.vector_load %arg14[%parallel_loop3A_164, %parallel_loop3A_165] {strides = array<i32>} : memref<80x128xf32, #tpu.memory_space<vmem>>, vector<16xf32>,
      %parallel_loop3A_167 = arith.index_cast %parallel_loop3A_131 : i32 to index
      %parallel_loop3A_168 = arith.constant 48 : index
      %parallel_loop3A_169 = tpu.vector_load %arg14[%parallel_loop3A_167, %parallel_loop3A_168] {strides = array<i32>} : memref<80x128xf32, #tpu.memory_space<vmem>>, vector<16xf32>,
      %parallel_loop3A_170 = arith.index_cast %parallel_loop3A_131 : i32 to index
      %parallel_loop3A_171 = arith.constant 64 : index
      %parallel_loop3A_172 = tpu.vector_load %arg14[%parallel_loop3A_170, %parallel_loop3A_171] {strides = array<i32>} : memref<80x128xf32, #tpu.memory_space<vmem>>, vector<16xf32>,
      %parallel_loop3A_173 = arith.index_cast %parallel_loop3A_131 : i32 to index
      %parallel_loop3A_174 = arith.constant 80 : index
      %parallel_loop3A_175 = tpu.vector_load %arg14[%parallel_loop3A_173, %parallel_loop3A_174] {strides = array<i32>} : memref<80x128xf32, #tpu.memory_space<vmem>>, vector<16xf32>,
      %parallel_loop3A_176 = arith.index_cast %parallel_loop3A_131 : i32 to index
      %parallel_loop3A_177 = arith.constant 96 : index
      %parallel_loop3A_178 = tpu.vector_load %arg14[%parallel_loop3A_176, %parallel_loop3A_177] {strides = array<i32>} : memref<80x128xf32, #tpu.memory_space<vmem>>, vector<16xf32>,
      %parallel_loop3A_179 = arith.index_cast %parallel_loop3A_131 : i32 to index
      %parallel_loop3A_180 = arith.constant 112 : index
      %parallel_loop3A_181 = tpu.vector_load %arg14[%parallel_loop3A_179, %parallel_loop3A_180] {strides = array<i32>} : memref<80x128xf32, #tpu.memory_space<vmem>>, vector<16xf32>,
      %parallel_loop3A_182 = arith.mulf %parallel_loop3A_136, %parallel_loop3A_160 : vector<16xf32>
      %parallel_loop3A_183 = arith.mulf %parallel_loop3A_139, %parallel_loop3A_163 : vector<16xf32>
      %parallel_loop3A_184 = arith.mulf %parallel_loop3A_142, %parallel_loop3A_166 : vector<16xf32>
      %parallel_loop3A_185 = arith.mulf %parallel_loop3A_145, %parallel_loop3A_169 : vector<16xf32>
      %parallel_loop3A_186 = arith.mulf %parallel_loop3A_148, %parallel_loop3A_172 : vector<16xf32>
      %parallel_loop3A_187 = arith.mulf %parallel_loop3A_151, %parallel_loop3A_175 : vector<16xf32>
      %parallel_loop3A_188 = arith.mulf %parallel_loop3A_154, %parallel_loop3A_178 : vector<16xf32>
      %parallel_loop3A_189 = arith.mulf %parallel_loop3A_157, %parallel_loop3A_181 : vector<16xf32>
      %parallel_loop3A_190 = arith.addf %parallel_loop3A_182, %parallel_loop3A_183 : vector<16xf32>
      %parallel_loop3A_191 = arith.addf %parallel_loop3A_184, %parallel_loop3A_185 : vector<16xf32>
      %parallel_loop3A_192 = arith.addf %parallel_loop3A_190, %parallel_loop3A_191 : vector<16xf32>
      %parallel_loop3A_193 = arith.addf %parallel_loop3A_186, %parallel_loop3A_187 : vector<16xf32>
      %parallel_loop3A_194 = arith.addf %parallel_loop3A_188, %parallel_loop3A_189 : vector<16xf32>
      %parallel_loop3A_195 = arith.addf %parallel_loop3A_193, %parallel_loop3A_194 : vector<16xf32>
      %parallel_loop3A_196 = arith.addf %parallel_loop3A_192, %parallel_loop3A_195 : vector<16xf32>
      %parallel_loop3A_197 = arith.constant true
      %parallel_loop3A_198 = vector.broadcast %parallel_loop3A_197 : i1 to vector<16xi1>
      %parallel_loop3A_199 = tpu.scan <sum>, %parallel_loop3A_196 masked %parallel_loop3A_198 : vector<16xf32>, vector<16xi1> -> vector<16xf32>
      %parallel_loop3A_200 = vector.extract %parallel_loop3A_199[15] : f32 from vector<16xf32>
      %parallel_loop3A_201 = tpu.vector_load_idx %arg16[%parallel_loop3A_133] : memref<80xf32, #tpu.memory_space<vmem>>[vector<16xi32>], vector<16xf32>,
      %parallel_loop3A_202 = tpu.vector_load_idx %arg18[%parallel_loop3A_133] : memref<80xf32, #tpu.memory_space<vmem>>[vector<16xi32>], vector<16xf32>,
      %parallel_loop3A_203 = vector.broadcast %parallel_loop3A_200 : f32 to vector<16xf32>
      %parallel_loop3A_204 = arith.mulf %parallel_loop3A_203, %parallel_loop3A_201 : vector<16xf32>
      %parallel_loop3A_205 = arith.mulf %parallel_loop3A_204, %parallel_loop3A_202 : vector<16xf32>
      %parallel_loop3A_206 = arith.constant 1.000000e+00 : f32
      %parallel_loop3A_207 = vector.broadcast %parallel_loop3A_206 : f32 to vector<16xf32>
      %parallel_loop3A_208 = arith.subf %parallel_loop3A_205, %parallel_loop3A_207 : vector<16xf32>
      %parallel_loop3A_209 = math.exp %parallel_loop3A_208 : vector<16xf32>
      %parallel_loop3A_210 = arith.mulf %parallel_loop3A_160, %parallel_loop3A_209 : vector<16xf32>
      %parallel_loop3A_211 = arith.index_cast %parallel_loop3A_131 : i32 to index
      %parallel_loop3A_212 = arith.constant 0 : index
      %parallel_loop3A_213 = tpu.vector_load %arg14[%parallel_loop3A_211, %parallel_loop3A_212] {strides = array<i32>} : memref<80x128xf32, #tpu.memory_space<vmem>>, vector<16xf32>,
      tpu.vector_store %arg14[%parallel_loop3A_211, %parallel_loop3A_212], %parallel_loop3A_210 {strides = array<i32>} : memref<80x128xf32, #tpu.memory_space<vmem>>, vector<16xf32>,
      %parallel_loop3A_214 = arith.mulf %parallel_loop3A_163, %parallel_loop3A_209 : vector<16xf32>
      %parallel_loop3A_215 = arith.index_cast %parallel_loop3A_131 : i32 to index
      %parallel_loop3A_216 = arith.constant 16 : index
      %parallel_loop3A_217 = tpu.vector_load %arg14[%parallel_loop3A_215, %parallel_loop3A_216] {strides = array<i32>} : memref<80x128xf32, #tpu.memory_space<vmem>>, vector<16xf32>,
      tpu.vector_store %arg14[%parallel_loop3A_215, %parallel_loop3A_216], %parallel_loop3A_214 {strides = array<i32>} : memref<80x128xf32, #tpu.memory_space<vmem>>, vector<16xf32>,
      %parallel_loop3A_218 = arith.mulf %parallel_loop3A_166, %parallel_loop3A_209 : vector<16xf32>
      %parallel_loop3A_219 = arith.index_cast %parallel_loop3A_131 : i32 to index
      %parallel_loop3A_220 = arith.constant 32 : index
      %parallel_loop3A_221 = tpu.vector_load %arg14[%parallel_loop3A_219, %parallel_loop3A_220] {strides = array<i32>} : memref<80x128xf32, #tpu.memory_space<vmem>>, vector<16xf32>,
      tpu.vector_store %arg14[%parallel_loop3A_219, %parallel_loop3A_220], %parallel_loop3A_218 {strides = array<i32>} : memref<80x128xf32, #tpu.memory_space<vmem>>, vector<16xf32>,
      %parallel_loop3A_222 = arith.mulf %parallel_loop3A_169, %parallel_loop3A_209 : vector<16xf32>
      %parallel_loop3A_223 = arith.index_cast %parallel_loop3A_131 : i32 to index
      %parallel_loop3A_224 = arith.constant 48 : index
      %parallel_loop3A_225 = tpu.vector_load %arg14[%parallel_loop3A_223, %parallel_loop3A_224] {strides = array<i32>} : memref<80x128xf32, #tpu.memory_space<vmem>>, vector<16xf32>,
      tpu.vector_store %arg14[%parallel_loop3A_223, %parallel_loop3A_224], %parallel_loop3A_222 {strides = array<i32>} : memref<80x128xf32, #tpu.memory_space<vmem>>, vector<16xf32>,
      %parallel_loop3A_226 = arith.mulf %parallel_loop3A_172, %parallel_loop3A_209 : vector<16xf32>
      %parallel_loop3A_227 = arith.index_cast %parallel_loop3A_131 : i32 to index
      %parallel_loop3A_228 = arith.constant 64 : index
      %parallel_loop3A_229 = tpu.vector_load %arg14[%parallel_loop3A_227, %parallel_loop3A_228] {strides = array<i32>} : memref<80x128xf32, #tpu.memory_space<vmem>>, vector<16xf32>,
      tpu.vector_store %arg14[%parallel_loop3A_227, %parallel_loop3A_228], %parallel_loop3A_226 {strides = array<i32>} : memref<80x128xf32, #tpu.memory_space<vmem>>, vector<16xf32>,
      %parallel_loop3A_230 = arith.mulf %parallel_loop3A_175, %parallel_loop3A_209 : vector<16xf32>
      %parallel_loop3A_231 = arith.index_cast %parallel_loop3A_131 : i32 to index
      %parallel_loop3A_232 = arith.constant 80 : index
      %parallel_loop3A_233 = tpu.vector_load %arg14[%parallel_loop3A_231, %parallel_loop3A_232] {strides = array<i32>} : memref<80x128xf32, #tpu.memory_space<vmem>>, vector<16xf32>,
      tpu.vector_store %arg14[%parallel_loop3A_231, %parallel_loop3A_232], %parallel_loop3A_230 {strides = array<i32>} : memref<80x128xf32, #tpu.memory_space<vmem>>, vector<16xf32>,
      %parallel_loop3A_234 = arith.mulf %parallel_loop3A_178, %parallel_loop3A_209 : vector<16xf32>
      %parallel_loop3A_235 = arith.index_cast %parallel_loop3A_131 : i32 to index
      %parallel_loop3A_236 = arith.constant 96 : index
      %parallel_loop3A_237 = tpu.vector_load %arg14[%parallel_loop3A_235, %parallel_loop3A_236] {strides = array<i32>} : memref<80x128xf32, #tpu.memory_space<vmem>>, vector<16xf32>,
      tpu.vector_store %arg14[%parallel_loop3A_235, %parallel_loop3A_236], %parallel_loop3A_234 {strides = array<i32>} : memref<80x128xf32, #tpu.memory_space<vmem>>, vector<16xf32>,
      %parallel_loop3A_238 = arith.mulf %parallel_loop3A_181, %parallel_loop3A_209 : vector<16xf32>
      %parallel_loop3A_239 = arith.index_cast %parallel_loop3A_131 : i32 to index
      %parallel_loop3A_240 = arith.constant 112 : index
      %parallel_loop3A_241 = tpu.vector_load %arg14[%parallel_loop3A_239, %parallel_loop3A_240] {strides = array<i32>} : memref<80x128xf32, #tpu.memory_space<vmem>>, vector<16xf32>,
      tpu.vector_store %arg14[%parallel_loop3A_239, %parallel_loop3A_240], %parallel_loop3A_238 {strides = array<i32>} : memref<80x128xf32, #tpu.memory_space<vmem>>, vector<16xf32>,
      %parallel_loop3A_242 = arith.select %eq3A_42, %parallel_loop3A_209, %broadcast_in_dim3A_44 : vector<16xi1>, vector<16xf32>
      %parallel_loop3A_243 = arith.addf %parallel_loop3A_132, %parallel_loop3A_242 : vector<16xf32>
      scf.yield %parallel_loop3A_243 : vector<16xf32>
    } {sc.loop_unroll_factor = 1 : i64, sc.parallel_access}
    %get3A = arith.constant 0 : index
    %get3A_94 = tpu.vector_load %arg8[%get3A] {strides = array<i32>} : memref<80xi32, #tpu.memory_space<vmem>>, vector<16xi32>,
    %swap3A = arith.constant 0 : index
    %swap3A_95 = tpu.vector_load %arg20[%swap3A] {strides = array<i32>} : memref<80xi32, #tpu.memory_space<vmem>>, vector<16xi32>,
    tpu.vector_store %arg20[%swap3A], %get3A_94 {strides = array<i32>} : memref<80xi32, #tpu.memory_space<vmem>>, vector<16xi32>,
    %get3A_96 = arith.constant 16 : index
    %get3A_97 = tpu.vector_load %arg8[%get3A_96] {strides = array<i32>} : memref<80xi32, #tpu.memory_space<vmem>>, vector<16xi32>,
    %swap3A_98 = arith.constant 16 : index
    %swap3A_99 = tpu.vector_load %arg20[%swap3A_98] {strides = array<i32>} : memref<80xi32, #tpu.memory_space<vmem>>, vector<16xi32>,
    tpu.vector_store %arg20[%swap3A_98], %get3A_97 {strides = array<i32>} : memref<80xi32, #tpu.memory_space<vmem>>, vector<16xi32>,
    %get3A_100 = arith.constant 32 : index
    %get3A_101 = tpu.vector_load %arg8[%get3A_100] {strides = array<i32>} : memref<80xi32, #tpu.memory_space<vmem>>, vector<16xi32>,
    %swap3A_102 = arith.constant 32 : index
    %swap3A_103 = tpu.vector_load %arg20[%swap3A_102] {strides = array<i32>} : memref<80xi32, #tpu.memory_space<vmem>>, vector<16xi32>,
    tpu.vector_store %arg20[%swap3A_102], %get3A_101 {strides = array<i32>} : memref<80xi32, #tpu.memory_space<vmem>>, vector<16xi32>,
    %get3A_104 = arith.constant 48 : index
    %get3A_105 = tpu.vector_load %arg8[%get3A_104] {strides = array<i32>} : memref<80xi32, #tpu.memory_space<vmem>>, vector<16xi32>,
    %swap3A_106 = arith.constant 48 : index
    %swap3A_107 = tpu.vector_load %arg20[%swap3A_106] {strides = array<i32>} : memref<80xi32, #tpu.memory_space<vmem>>, vector<16xi32>,
    tpu.vector_store %arg20[%swap3A_106], %get3A_105 {strides = array<i32>} : memref<80xi32, #tpu.memory_space<vmem>>, vector<16xi32>,
    %get3A_108 = arith.constant 64 : index
    %get3A_109 = tpu.vector_load %arg8[%get3A_108] {strides = array<i32>} : memref<80xi32, #tpu.memory_space<vmem>>, vector<16xi32>,
    %swap3A_110 = arith.constant 64 : index
    %swap3A_111 = tpu.vector_load %arg20[%swap3A_110] {strides = array<i32>} : memref<80xi32, #tpu.memory_space<vmem>>, vector<16xi32>,
    tpu.vector_store %arg20[%swap3A_110], %get3A_109 {strides = array<i32>} : memref<80xi32, #tpu.memory_space<vmem>>, vector<16xi32>,
    %dma_start3A_112 = arith.constant 0 : i32
    %dma_start3A_113 = arith.constant 0 : i32
    %dma_start3A_114 = tpu.memref_slice %arg23[%dma_start3A_112, %dma_start3A_113] : memref<10240x128xf32, #tpu.memory_space<vmem_shared>> -> memref<10240x128xf32, #tpu.memory_space<vmem_shared>>
    tpu.enqueue_indirect_dma source(%arg14 : memref<80x128xf32, #tpu.memory_space<vmem>>) target(%dma_start3A_114 : memref<10240x128xf32, #tpu.memory_space<vmem_shared>>) offsets(%arg20 : memref<80xi32, #tpu.memory_space<vmem>>) semaphore(%arg28 : memref<!tpu.dma_semaphore, #tpu.memory_space<semaphore_mem>>) {add = true}
    %dma_wait3A_115 = arith.constant 0 : i32
    %dma_wait3A_116 = arith.constant 0 : i32
    %dma_wait3A_117 = tpu.memref_slice %arg23[%dma_wait3A_115, %dma_wait3A_116] : memref<10240x128xf32, #tpu.memory_space<vmem_shared>> -> memref<10240x128xf32, #tpu.memory_space<vmem_shared>>
    tpu.wait_indirect_dma semaphore(%arg28 : memref<!tpu.dma_semaphore, #tpu.memory_space<semaphore_mem>>) src(%arg14 : memref<80x128xf32, #tpu.memory_space<vmem>>) dst(%dma_wait3A_117 : memref<10240x128xf32, #tpu.memory_space<vmem_shared>>)
    %dma_wait3A_118 = arith.constant 0 : i32
    %dma_wait3A_119 = arith.constant 0 : i32
    %dma_wait3A_120 = tpu.memref_slice %arg23[%dma_wait3A_118, %dma_wait3A_119] : memref<10240x128xf32, #tpu.memory_space<vmem_shared>> -> memref<10240x128xf32, #tpu.memory_space<vmem_shared>>
    tpu.wait_indirect_dma semaphore(%arg29 : memref<!tpu.dma_semaphore, #tpu.memory_space<semaphore_mem>>) src(%arg15 : memref<80x128xf32, #tpu.memory_space<vmem>>) dst(%dma_wait3A_120 : memref<10240x128xf32, #tpu.memory_space<vmem_shared>>)
    %swap3A_121 = arith.constant 0 : index
    %swap3A_122 = tpu.vector_load %arg22[%swap3A_121] {strides = array<i32>} : memref<16xf32, #tpu.memory_space<vmem>>, vector<16xf32>,
    tpu.vector_store %arg22[%swap3A_121], %parallel_loop3A_93 {strides = array<i32>} : memref<16xf32, #tpu.memory_space<vmem>>, vector<16xf32>,
    "tpu.region"() ({
      %run_scoped3A = tpu.sem_alloc : memref<!tpu.dma_semaphore, #tpu.memory_space<semaphore_mem>>
      %dma_start3A_131 = arith.constant 0 : i32
      %dma_start3A_132 = tpu.memref_slice %arg7[%add3A, %dma_start3A_131] : memref<32x16xf32, #tpu.memory_space<hbm>> -> memref<1x16xf32, #tpu.memory_space<hbm>>
      %dma_start3A_133 = tpu.memref_squeeze %dma_start3A_132 : memref<1x16xf32, #tpu.memory_space<hbm>> -> memref<16xf32, #tpu.memory_space<hbm>>
      %dma_start3A_134 = arith.constant 0 : i32
      %dma_start3A_135 = tpu.memref_slice %arg7[%add3A, %dma_start3A_134] : memref<32x16xf32, #tpu.memory_space<hbm>> -> memref<1x16xf32, #tpu.memory_space<hbm>>
      %dma_start3A_136 = tpu.memref_squeeze %dma_start3A_135 : memref<1x16xf32, #tpu.memory_space<hbm>> -> memref<16xf32, #tpu.memory_space<hbm>>
      tpu.enqueue_dma source(%arg22 : memref<16xf32, #tpu.memory_space<vmem>>) target(%dma_start3A_136 : memref<16xf32, #tpu.memory_space<hbm>>) target_semaphore(%run_scoped3A : memref<!tpu.dma_semaphore, #tpu.memory_space<semaphore_mem>>)
      %dma_wait3A_137 = arith.constant 0 : i32
      %dma_wait3A_138 = tpu.memref_slice %arg7[%add3A, %dma_wait3A_137] : memref<32x16xf32, #tpu.memory_space<hbm>> -> memref<1x16xf32, #tpu.memory_space<hbm>>
      %dma_wait3A_139 = tpu.memref_squeeze %dma_wait3A_138 : memref<1x16xf32, #tpu.memory_space<hbm>> -> memref<16xf32, #tpu.memory_space<hbm>>
      %dma_wait3A_140 = arith.constant 0 : i32
      %dma_wait3A_141 = tpu.memref_slice %arg7[%add3A, %dma_wait3A_140] : memref<32x16xf32, #tpu.memory_space<hbm>> -> memref<1x16xf32, #tpu.memory_space<hbm>>
      %dma_wait3A_142 = tpu.memref_squeeze %dma_wait3A_141 : memref<1x16xf32, #tpu.memory_space<hbm>> -> memref<16xf32, #tpu.memory_space<hbm>>
      tpu.wait_dma2 semaphore(%run_scoped3A : memref<!tpu.dma_semaphore, #tpu.memory_space<semaphore_mem>>) src(%arg22 : memref<16xf32, #tpu.memory_space<vmem>>) dst(%dma_wait3A_142 : memref<16xf32, #tpu.memory_space<hbm>>)
      tpu.yield
    }) : () -> ()
    %barrier3A_123 = arith.constant 0 : index
    tpu.barrier barrier_id(%barrier3A_123)
    %mul3A_124 = arith.constant 640 : i32
    %mul3A_125 = arith.muli %arg1, %mul3A_124 : i32
    %mul3A_126 = arith.constant 10240 : i32
    %mul3A_127 = arith.muli %arg0, %mul3A_126 : i32
    %mul3A_128 = arith.constant 640 : i32
    %mul3A_129 = arith.muli %arg1, %mul3A_128 : i32
    %add3A_130 = arith.addi %mul3A_127, %mul3A_129 : i32
    "tpu.region"() ({
      %run_scoped3A = tpu.sem_alloc : memref<!tpu.dma_semaphore, #tpu.memory_space<semaphore_mem>>
      %dma_start3A_131 = arith.constant 0 : i32
      %dma_start3A_132 = tpu.memref_slice %arg6[%add3A_130, %dma_start3A_131] : memref<20480x128xf32, #tpu.memory_space<hbm>> -> memref<640x128xf32, #tpu.memory_space<hbm>>
      %dma_start3A_133 = arith.constant 0 : i32
      %dma_start3A_134 = tpu.memref_slice %arg23[%mul3A_125, %dma_start3A_133] : memref<10240x128xf32, #tpu.memory_space<vmem_shared>> -> memref<640x128xf32, #tpu.memory_space<vmem_shared>>
      tpu.enqueue_dma source(%dma_start3A_134 : memref<640x128xf32, #tpu.memory_space<vmem_shared>>) target(%dma_start3A_132 : memref<640x128xf32, #tpu.memory_space<hbm>>) target_semaphore(%run_scoped3A : memref<!tpu.dma_semaphore, #tpu.memory_space<semaphore_mem>>)
      %dma_wait3A_135 = arith.constant 0 : i32
      %dma_wait3A_136 = tpu.memref_slice %arg6[%add3A_130, %dma_wait3A_135] : memref<20480x128xf32, #tpu.memory_space<hbm>> -> memref<640x128xf32, #tpu.memory_space<hbm>>
      %dma_wait3A_137 = arith.constant 0 : i32
      %dma_wait3A_138 = tpu.memref_slice %arg23[%mul3A_125, %dma_wait3A_137] : memref<10240x128xf32, #tpu.memory_space<vmem_shared>> -> memref<640x128xf32, #tpu.memory_space<vmem_shared>>
      tpu.wait_dma2 semaphore(%run_scoped3A : memref<!tpu.dma_semaphore, #tpu.memory_space<semaphore_mem>>) src(%dma_wait3A_138 : memref<640x128xf32, #tpu.memory_space<vmem_shared>>) dst(%dma_wait3A_136 : memref<640x128xf32, #tpu.memory_space<hbm>>)
      tpu.yield
    }) : () -> ()
    return
  }
}

module attributes {stable_mosaic.version = 14 : i64} {
  func.func @_rn_body(%arg0: memref<10000x128xf32, #tpu.memory_space<vmem>>, %arg1: memref<10000x1xf32, #tpu.memory_space<vmem>>) attributes {dimension_semantics = [], scalar_prefetch = 0 : i64, scratch_operands = 0 : i64, tpu.core_type = #tpu.core_type<tc>} {
    %get3A = arith.constant 0 : index
    %get3A_0 = arith.constant 0 : index
    %get3A_1 = vector.load %arg0[%get3A, %get3A_0] : memref<10000x128xf32, #tpu.memory_space<vmem>>, vector<10000x128xf32>
    %mul3A = arith.mulf %get3A_1, %get3A_1 : vector<10000x128xf32>
    %reduce_sum3A = arith.constant dense<0.000000e+00> : vector<10000xf32>
    %reduce_sum3A_2 = vector.multi_reduction <add>, %mul3A, %reduce_sum3A [1] : vector<10000x128xf32> to vector<10000xf32>
    %broadcast_in_dim3A = vector.shape_cast %reduce_sum3A_2 : vector<10000xf32> to vector<10000x1xf32>
    %sqrt3A = math.sqrt %broadcast_in_dim3A : vector<10000x1xf32>
    %max3A = arith.constant 9.99999996E-13 : f32
    %max3A_3 = vector.broadcast %max3A : f32 to vector<10000x1xf32>
    %max3A_4 = arith.maximumf %sqrt3A, %max3A_3 : vector<10000x1xf32>
    %div3A = arith.constant 1.000000e+00 : f32
    %div3A_5 = vector.broadcast %div3A : f32 to vector<10000x1xf32>
    %div3A_6 = arith.divf %div3A_5, %max3A_4 : vector<10000x1xf32>
    %swap3A = arith.constant 0 : index
    %swap3A_7 = arith.constant 0 : index
    %swap3A_8 = vector.load %arg1[%swap3A, %swap3A_7] : memref<10000x1xf32, #tpu.memory_space<vmem>>, vector<10000x1xf32>
    tpu.vector_store %arg1[%swap3A, %swap3A_7], %div3A_6 {strides = array<i32>} : memref<10000x1xf32, #tpu.memory_space<vmem>>, vector<10000x1xf32>,
    return
  }
}

module attributes {stable_mosaic.version = 14 : i64} {
  func.func @_post_body(%arg0: memref<20480x128xf32, #tpu.memory_space<vmem>>, %arg1: memref<32x16xf32, #tpu.memory_space<vmem>>, %arg2: memref<10000x128xf32, #tpu.memory_space<vmem>>, %arg3: memref<128x128xf32, #tpu.memory_space<vmem>>, %arg4: memref<1x128xf32, #tpu.memory_space<vmem>>, %arg5: memref<10000x128xf32, #tpu.memory_space<vmem>>) attributes {dimension_semantics = [], scalar_prefetch = 0 : i64, scratch_operands = 0 : i64, tpu.core_type = #tpu.core_type<tc>} {
    %get3A = arith.constant 0 : index
    %get3A_0 = arith.constant 0 : index
    %get3A_1 = vector.load %arg0[%get3A, %get3A_0] : memref<20480x128xf32, #tpu.memory_space<vmem>>, vector<10000x128xf32>
    %get3A_2 = arith.constant 10240 : index
    %get3A_3 = arith.constant 0 : index
    %get3A_4 = vector.load %arg0[%get3A_2, %get3A_3] : memref<20480x128xf32, #tpu.memory_space<vmem>>, vector<10000x128xf32>
    %add3A = arith.addf %get3A_1, %get3A_4 : vector<10000x128xf32>
    %get3A_5 = arith.constant 0 : index
    %get3A_6 = arith.constant 0 : index
    %get3A_7 = vector.load %arg1[%get3A_5, %get3A_6] : memref<32x16xf32, #tpu.memory_space<vmem>>, vector<32x16xf32>
    %reduce_sum3A = vector.shape_cast %get3A_7 : vector<32x16xf32> to vector<1x32x16xf32>
    %reduce_sum3A_8 = arith.constant dense<0.000000e+00> : vector<1xf32>
    %reduce_sum3A_9 = vector.multi_reduction <add>, %reduce_sum3A, %reduce_sum3A_8 [1, 2] : vector<1x32x16xf32> to vector<1xf32>
    %reduce_sum3A_10 = vector.shape_cast %reduce_sum3A_9 : vector<1xf32> to vector<1x1x1xf32>
    %reduce_sum3A_11 = vector.extract %reduce_sum3A_10[0, 0, 0] : f32 from vector<1x1x1xf32>
    %get3A_12 = arith.constant 0 : index
    %get3A_13 = arith.constant 0 : index
    %get3A_14 = vector.load %arg3[%get3A_12, %get3A_13] : memref<128x128xf32, #tpu.memory_space<vmem>>, vector<128x128xf32>
    %dot_general3A = arith.constant dense<0.000000e+00> : vector<10000x128xf32>
    %dot_general3A_15 = tpu.matmul %add3A, %get3A_14, %dot_general3A {dimension_numbers = #tpu.dot_dimension_numbers<[1], [1], [0], [0], [0, 0, 1, 0], [], []>, transpose_lhs_hint = false} : vector<10000x128xf32>, vector<128x128xf32>, vector<10000x128xf32> -> vector<10000x128xf32>
    %div3A = arith.constant 1.000000e+00 : f32
    %div3A_16 = arith.divf %div3A, %reduce_sum3A_11 : f32
    %mul3A = vector.broadcast %div3A_16 : f32 to vector<10000x128xf32>
    %mul3A_17 = arith.mulf %dot_general3A_15, %mul3A : vector<10000x128xf32>
    %get3A_18 = arith.constant 0 : index
    %get3A_19 = arith.constant 0 : index
    %get3A_20 = vector.load %arg4[%get3A_18, %get3A_19] : memref<1x128xf32, #tpu.memory_space<vmem>>, vector<1x128xf32>
    %add3A_21 = vector.broadcast %get3A_20 : vector<1x128xf32> to vector<10000x128xf32>
    %add3A_22 = arith.addf %mul3A_17, %add3A_21 : vector<10000x128xf32>
    %get3A_23 = arith.constant 0 : index
    %get3A_24 = arith.constant 0 : index
    %get3A_25 = vector.load %arg2[%get3A_23, %get3A_24] : memref<10000x128xf32, #tpu.memory_space<vmem>>, vector<10000x128xf32>
    %add3A_26 = arith.addf %add3A_22, %get3A_25 : vector<10000x128xf32>
    %swap3A = arith.constant 0 : index
    %swap3A_27 = arith.constant 0 : index
    %swap3A_28 = vector.load %arg5[%swap3A, %swap3A_27] : memref<10000x128xf32, #tpu.memory_space<vmem>>, vector<10000x128xf32>
    tpu.vector_store %arg5[%swap3A, %swap3A_27], %add3A_26 {strides = array<i32>} : memref<10000x128xf32, #tpu.memory_space<vmem>>, vector<10000x128xf32>,
    return
  }
}

</mosaic_0001>

<sc_bundles>
// kernel: kernel.5.cloned.1.call-start
scs
__scs_entry_jumppad:
0x0: {  	(pc) =	sbr.rel $0x88, $3  }
0x1: {  	(tag) =	ssettag $0x0;
	lr =	simm.s32 $0x1  }
0x2: {  	[smem:$0x3F9D] =	sst lr;
	_ =	strace $0xD0000000  }
0x3: {  	_ = 	snop  }
0x4: {  	_ = 	snop  }
0x5: {  	_ = 	snop  }
0x6: {  	_ = 	snop  }
0x7: {  	_ = 	snop  }
__scs_overlays_trampoline_lowered:
0x8: {  	[smem:$0x3FAC] =	sst s0  }
0x9: {  	[smem:$0x3FAD] =	sst s1  }
0xa: {  	[smem:$0x3FAE] =	sst s2  }
0xb: {  	[smem:$0x3FAF] =	sst s3  }
0xc: {  	[smem:$0x3FB0] =	sst s4  }
0xd: {  	[smem:$0x3FB1] =	sst s5  }
0xe: {  	[smem:$0x3FB2] =	sst s6  }
0xf: {  	[smem:$0x3FB3] =	sst s7  }
0x10: {  	[smem:$0x3FB4] =	sst s8  }
0x11: {  	[smem:$0x3FB5] =	sst s9;
	s0 =	simm.s32 @!p0 $0x0  }
0x12: {  	s1 =	sld [smem:$0x3F9B];
	s0 =	simm.s32 @p0 $0x1  }
0x13: {  	[smem:$0x3FB6] =	sst s0;
	s0 =	simm.s32 @!p1 $0x0  }
0x14: {  	s2 =	sld [smem:$0x3F9A];
	s0 =	simm.s32 @p1 $0x1  }
0x15: {  	[smem:$0x3FB7] =	sst s0;
	s0 =	simm.s32 @!p2 $0x0  }
0x16: {  	s3 =	sld [smem:$0x3FDB];
	s0 =	simm.s32 @p2 $0x1  }
0x17: {  	s4 =	simm.s32 $0x1BF5;
	[smem:$0x3FB9] =	sst s0  }
0x18: {  	s0 =	sld [smem:$0x3F9C];
	_ =	swait.ge [sflag:s4], $0x0  }
0x19: {  	s7 =	sld [smem:$0x3F9D]  }
0x1a: {  	s8 =	sadd.s32 $0xFFFFE003, lr  }
0x1b: {  	s9 =	sadd.s32 $0xFFFFFEF7, lr;
	s5 =	simm.s32 $0xFFFFFFFF;
	p2 =	slt.u32 s8, $0xFFFFF086  }
0x1c: {  	p1 =	slt.u32 s9, $0xF7A;
	s5 =	simm.s32 @!p2 $0x0  }
0x1d: {  	s5 =	simm.s32 @p1 $0x1;
	p0 =	seq.s32 s7, s2  }
0x1e: {  	s7 =	smul.u32 @!p0 $0xF7A, s2;
	p2 =	seq.s32 @!p0 s5, $0x0  }
0x1f: {  	s9 =	smul.u32 $0xF7A, s1;
	s8 =	simm.s32 @!p0 $0x1BF5;
	p2 =	por !p2, p0  }
0x20: {  	[sflag:s8] =	ssyncset.s32 @!p0 $0xFFFFF086;
	s6 =	sadd.s32 @!p0 s3, s7;
	s7 =	simm.s32 @!p0 $0x108  }
0x21: {  	s3 =	sadd.s32 s3, s9;
	s6 =	sadd.s32 @!p0 $0x88, s6;
	s7 =	simm.s32 @p2 $0x1082  }
0x22: {  	[simem:s7], [sflag:s8] =	dma.local @!p0 [hbm:s6], $0xF7A  }
0x23: {  	s9 =	sor.u32 $0xD0000000, s2;
	s6 =	simm.s32 $0x108;
	_ =	swait.ge @!p0 [sflag:s8], $0x0  }
0x24: {  	s3 =	sadd.s32 $0x88, s3;
	s6 =	simm.s32 @!p1 $0x1082;
	[sflag:s4] =	ssyncset.s32 $0xFFFFF086  }
0x25: {  	[simem:s6], [sflag:s4] =	dma.local [hbm:s3], $0xF7A  }
0x26: {  	[smem:$0x3F9D] =	sst s1;
	(tag) =	ssettag s2;
	_ =	strace s9  }
0x27: {  	s1 =	sld [smem:$0x3FAD]  }
0x28: {  	s2 =	sld [smem:$0x3FAE]  }
0x29: {  	s4 =	sld [smem:$0x3FB0]  }
0x2a: {  	p0 =	seq.s32 s5, $0x0;
	s5 =	sld [smem:$0x3FB1]  }
0x2b: {  	s6 =	sld [smem:$0x3FB2]  }
0x2c: {  	s7 =	sld [smem:$0x3FB3]  }
0x2d: {  	s3 =	simm.s32 $0x108;
	s8 =	sld [smem:$0x3FB4]  }
0x2e: {  	s3 =	simm.s32 @!p0 $0x1082;
	s9 =	sld [smem:$0x3FB5]  }
0x2f: {  	lr =	sadd.s32 s0, s3;
	s0 =	sld [smem:$0x3FAC]  }
0x30: {  	s3 =	sld [smem:$0x3FAF]  }
0x31: {  	[smem:$0x3FB8] =	sst s10  }
0x32: {  	s10 =	sld [smem:$0x3FB6];
	_ =	sdelay $0x3  }
0x33: {  	p0 =	seq.s32 s10, $0x1;
	s10 =	sld [smem:$0x3FB8];
	_ =	sdelay $0x3  }
0x34: {  	[smem:$0x3FB8] =	sst s10  }
0x35: {  	s10 =	sld [smem:$0x3FB7];
	_ =	sdelay $0x3  }
0x36: {  	p1 =	seq.s32 s10, $0x1;
	s10 =	sld [smem:$0x3FB8];
	_ =	sdelay $0x3  }
0x37: {  	[smem:$0x3FB8] =	sst s10  }
0x38: {  	s10 =	sld [smem:$0x3FB9]  }
0x39: {  	_ = 	snop;
	(pc) =	sbr.ind lr, $3  }
0x3a: {  	_ = 	snop  }
0x3b: {  	_ = 	snop  }
0x3c: {  	p2 =	seq.s32 s10, $0x1;
	s10 =	sld [smem:$0x3FB8]  }
0x3d: {  	_ =	shalt  }
0x3e: {  	_ =	shalt  }
0x3f: {  	_ =	shalt  }
0x40: {  	_ =	shalt  }
0x41: {  	_ =	shalt  }
0x42: {  	_ =	shalt  }
0x43: {  	_ =	shalt  }
0x44: {  	_ =	shalt  }
0x45: {  	_ =	shalt  }
0x46: {  	_ =	shalt  }
0x47: {  	_ =	shalt  }
0x48: {  	_ =	shalt  }
0x49: {  	_ =	shalt  }
0x4a: {  	_ =	shalt  }
0x4b: {  	_ =	shalt  }
0x4c: {  	_ =	shalt  }
0x4d: {  	_ =	shalt  }
0x4e: {  	_ =	shalt  }
0x4f: {  	_ =	shalt  }
0x50: {  	_ =	shalt  }
0x51: {  	_ =	shalt  }
0x52: {  	_ =	shalt  }
0x53: {  	_ =	shalt  }
0x54: {  	_ =	shalt  }
0x55: {  	_ =	shalt  }
0x56: {  	_ =	shalt  }
0x57: {  	_ =	shalt  }
0x58: {  	_ =	shalt  }
0x59: {  	_ =	shalt  }
0x5a: {  	_ =	shalt  }
0x5b: {  	_ =	shalt  }
0x5c: {  	_ =	shalt  }
0x5d: {  	_ =	shalt  }
0x5e: {  	_ =	shalt  }
0x5f: {  	_ =	shalt  }
0x60: {  	_ =	shalt  }
0x61: {  	_ =	shalt  }
0x62: {  	_ =	shalt  }
0x63: {  	_ =	shalt  }
0x64: {  	_ =	shalt  }
0x65: {  	_ =	shalt  }
0x66: {  	_ =	shalt  }
0x67: {  	_ =	shalt  }
0x68: {  	_ =	shalt  }
0x69: {  	_ =	shalt  }
0x6a: {  	_ =	shalt  }
0x6b: {  	_ =	shalt  }
0x6c: {  	_ =	shalt  }
0x6d: {  	_ =	shalt  }
0x6e: {  	_ =	shalt  }
0x6f: {  	_ =	shalt  }
0x70: {  	_ =	shalt  }
0x71: {  	_ =	shalt  }
0x72: {  	_ =	shalt  }
0x73: {  	_ =	shalt  }
0x74: {  	_ =	shalt  }
0x75: {  	_ =	shalt  }
0x76: {  	_ =	shalt  }
0x77: {  	_ =	shalt  }
0x78: {  	_ =	shalt  }
0x79: {  	_ =	shalt  }
0x7a: {  	_ =	shalt  }
0x7b: {  	_ =	shalt  }
0x7c: {  	_ =	shalt  }
0x7d: {  	_ =	shalt  }
0x7e: {  	_ =	shalt  }
0x7f: {  	_ =	shalt  }
0x80: {  	_ =	shalt  }
0x81: {  	_ =	shalt  }
0x82: {  	_ =	shalt  }
0x83: {  	_ =	shalt  }
0x84: {  	_ =	shalt  }
0x85: {  	_ =	shalt  }
0x86: {  	_ =	shalt  }
0x87: {  	_ =	shalt  }
.Lfunc_end0:
.L_simem_size_0:
called_computation_lowered:
.L_overlay_start_0:
0x88: {  	s2 =	sld [smem:$0x3FD9]  }
0x89: {  	s3 =	sld [smem:$0x3FFE];
	_ =	sdelay $0x1  }
0x8a: {  	s1 =	srdreg.scid  }
0x8b: {  	s0 =	sand.u32 $0x1, s1  }
0x8c: {  	s17 =	sshll.u32 s0, $0xA;
	s2 =	sadd.s32 s3, s2  }
0x8d: {  	s2 =	sadd.s32 s2, s17  }
0x8e: {  	[smem:$0x3FC4] =	sst s2  }
0x8f: {  	_ = 	snop  }
0x90: {  	s2 =	sld [smem:$0x3FC9]  }
0x91: {  	s18 =	sld [smem:$0x3FD0];
	(tm) =	ssettm $0x1  }
0x92: {  	s4 =	sld [smem:$0x3FFB];
	_ =	sdelay $0x3  }
0x93: {  	_ =	strace s4  }
0x94: {  	s4 =	sld [smem:$0x3FFC];
	_ =	sdelay $0x3  }
0x95: {  	_ =	strace s4  }
0x96: {  	s4 =	sld [smem:$0x3FFD];
	_ =	sdelay $0x3  }
0x97: {  	_ =	strace s4  }
0x98: {  	_ =	strace $0x8FFFFFFF  }
0x99: {  	s19 =	sld [smem:$0x3FDB];
	_ =	sdelay $0x1  }
0x9a: {  	s5 =	simm.s32 $_scs_section_size  }
0x9b: {  	s6 =	simm.s32 $_size__tile_overlayer_lowered;
	s7 =	simm.s32 $_tile_overlayer_lowered  }
0x9c: {  	s22 =	simm.s32 $0x1BFF;
	s21 =	sshll.u32 s7, $0x1;
	s4 =	sadd.s32 s5, s19  }
0x9d: {  	s8 =	simm.s32 $0x0;
	s20 =	sshll.u32 s6, $0x1;
	s6 =	sadd.s32 s21, s4  }
0x9e: {  	[timem:s8], [sflag:s22] =	dma.local [hbm:s6], s20  }
0x9f: {  	_ =	swait.ge [sflag:s22], s20  }
0xa0: {  	s5 =	ssub.s32 $0x0, s20;
	[sflag:s22] =	ssyncset.done $0x0  }
0xa1: {  	[sflag:s22] =	ssyncadd.s32 s5;
	_ =	sdelay $0x1  }
0xa2: {  	s23 =	simm.s32 $0x1B8B  }
0xa3: {  	_ =	swait.ge [sflag:s23], $0x1  }
0xa4: {  	[sflag:s23] =	ssyncset.done $0x0  }
0xa5: {  	s25 =	simm.s32 $0x1B8E;
	s24 =	sld [smem:$0x3FFE];
	[sflag:s23] =	ssyncadd.s32 $0xFFFFFFFF  }
0xa6: {  	s26 =	simm.s32 $execute0_lowered;
	[smem:$0x3FD2] =	sst s25  }
0xa7: {  	s6 =	sshll.u32 s26, $0x1;
	_ =	strace $0x80000046;
	[dreg:$0x1] =	wrdreg $0xFFFFFFFF  }
0xa8: {  	s28 =	simm.s32 $_size_execute0_lowered;
	s4 =	sadd.s32 s4, s6;
	[dreg:$0x0] =	wrdreg $0x0  }
0xa9: {  	s6 =	sshll.u32 s28, $0x1;
	[dreg:$0x2] =	wrdreg s4  }
0xaa: {  	[dreg:$0x3] =	wrdreg s6  }
0xab: {  	[dreg:$0x4] =	wrdreg $0xC0  }
0xac: {  	_ =	task [dreg:s8], $0x5FFFF  }
0xad: {  	[dreg:$0x1] =	wrdreg $0xFFFFFFFF  }
0xae: {  	[dreg:$0x0] =	wrdreg $0x60  }
0xaf: {  	[dreg:$0x2] =	wrdreg s2  }
0xb0: {  	[dreg:$0x3] =	wrdreg s24  }
0xb1: {  	[dreg:$0x4] =	wrdreg s18  }
0xb2: {  	[dreg:$0x5] =	wrdreg $0xA5800  }
0xb3: {  	[dreg:$0x6] =	wrdreg $0x9  }
0xb4: {  	_ =	task.clear_ibuf [dreg:s8], $0x7FFFF;
	_ =	strace $0x90000046  }
0xb5: {  	s29 =	simm.s32 $0x9;
	_ =	strace $0x80000048  }
0xb6: {  	_ =	swait.ge [sflag:s29], $0x1  }
0xb7: {  	[sflag:s29] =	ssyncadd.s32 $0xFFFFFFFF  }
0xb8: {  	_ =	strace $0x90000048  }
0xb9: {  	_ =	sfence  }
0xba: {  	s30 =	sld [smem:$0x0];
	_ =	sdelay $0x2  }
0xbb: {  	s31 =	sshll.u32 s1, $0xD;
	s1 =	sshrl.u32 s1, $0x2  }
0xbc: {  	s3 =	sand.u32 $0x4000, s31;
	s1 =	sadd.s32 s1, s30  }
0xbd: {  	s0 =	sor.u32 s3, s0;
	s1 =	sshll.u32 s1, $0x11  }
0xbe: {  	s0 =	sor.u32 s1, s0  }
0xbf: {  	s0 =	sadd.s32 $0x8F2B, s0  }
0xc0: {  	[sflag:s0] =	ssyncadd.remote.s32 $0x1  }
0xc1: {  	_ =	sfence.sel $0xFFFF  }
0xc2: {  	[dreg:$0x0] =	wrdreg $0xFFFFFFFF;
	(pc) =	sbr.abs _section_cstart, $3  }
0xc3: {  	[dreg:$0x1] =	wrdreg $0xFFFFFFFF  }
0xc4: {  	_ =	task.clear_ibuf [dreg:s8], $0x2FFFF;
	_ =	strace $0x9FFFFFFF  }
0xc5: {  	(tm) =	ssettm $0x7FFFFFFF  }
tec
execute0_lowered:
.L_overlay_start_1:
0x0: {  	(tag) =	ssettag $0x1  }
0x1: {  	s1 =	rddreg [dreg:$0x0]  }
0x2: {  	s0 =	rddreg [dreg:$0x1]  }
0x3: {  	s11 =	rddreg [dreg:$0x2]  }
0x4: {  	s4 =	rddreg [dreg:$0x3];
	s3 =	simm.s32 $0x0;
	s2 =	srdreg.scid  }
0x5: {  	s10 =	stileid.u32;
	s28 =	simm.s32 $0x100;
	s29 =	simm.s32 $0x80  }
0x6: {  	s30 =	simm.s32 $0x180;
	s31 =	simm.s32 $0x1;
	[smem:$0x7FF] =	sst s3  }
0x7: {  	s2 =	sand.u32 $0x1, s2;
	s21 =	smul.u32 $0x2800, s10;
	s6 =	sadd.s32 $0xC00, s0  }
0x8: {  	s7 =	sadd.s32 $0xAA00, s0;
	s8 =	sshll.u32 s10, $0x4;
	s23 =	smul.u32 $0x50000, s10  }
0x9: {  	_ =	strace $0x80000047;
	s5 =	smul.u32 $0x28000, s2;
	s22 =	sand.u32 $0x70, s8  }
0xa: {  	s24 =	ssub.s32 $0x2, s2;
	s2 =	sshll.u32 s2, $0x4;
	s8 =	sshrl.u32 s23, $0x2  }
0xb: {  	s9 =	sshrl.u32 s24, $0x1;
	s2 =	sor.u32 s10, s2;
	s13 =	sadd.s32 s8, s4  }
0xc: {  	s10 =	simm.s32 $0xA300;
	s8 =	sadd.s32 $0x2800, s13;
	[dreg:$0x5] =	wrdreg s13  }
0xd: {  	s3 =	sadd.s32 s21, s5;
	s25 =	sadd.s32 $0x5000, s13;
	[dreg:$0x6] =	wrdreg s8  }
0xe: {  	s5 =	ssub.s32 s24, s9;
	s12 =	sadd.s32 $0x7800, s13;
	[dreg:$0x7] =	wrdreg s25  }
0xf: {  	s26 =	smul.u32 $0x2710, s2;
	s14 =	sadd.s32 $0xA000, s13;
	[dreg:$0x8] =	wrdreg s12  }
0x10: {  	s2 =	sshll.u32 s2, $0x4;
	s15 =	sadd.s32 $0xC800, s13;
	[dreg:$0x9] =	wrdreg s14  }
0x11: {  	s21 =	smov.u32 s11;
	s16 =	sadd.s32 $0xF000, s13;
	[dreg:$0xa] =	wrdreg s15  }
0x12: {  	s3 =	sadd.s32 s3, s0;
	s17 =	sadd.s32 $0x11800, s13;
	[dreg:$0xb] =	wrdreg s16  }
0x13: {  	s0 =	sadd.s32 s22, s0;
	s2 =	sand.u32 $0x180, s2;
	[dreg:$0xc] =	wrdreg s17  }
0x14: {  	s18 =	sshrl.u32 s26, $0x3;
	s0 =	sadd.s32 s2, s0;
	s24 =	sadd.s32 $0xF0, s26  }
0x15: {  	s25 =	sadd.s32 $0xB000, s3;
	s8 =	simm.s32 $0x7;
	s12 =	simm.s32 $0x2  }
0x16: {  	s14 =	simm.s32 $0x7A00;
	s15 =	simm.s32 $0xA280;
	s16 =	simm.s32 $0xA380  }
0x17: {  	s3 =	simm.s32 $0x0;
	s19 =	sadd.s32 s6, s18;
	[dreg:$0x11] =	wrdreg s24  }
0x18: {  	s20 =	sadd.s32 $0xA, s18;
	s9 =	sadd.s32 s11, s18;
	[dreg:$0x13] =	wrdreg s25  }
0x19: {  	s0 =	sadd.s32 $0x5B000, s0;
	s25 =	simm.s32 $0x5200;
	[dreg:$0xd] =	wrdreg s19  }
0x1a: {  	s18 =	simm.s32 $0x4;
	[dreg:$0xe] =	wrdreg s9;
	s22 =	sadd.s32 s6, s20  }
0x1b: {  	s23 =	sadd.s32 s11, s20;
	s20 =	sadd.s32 $0xA0, s26;
	[dreg:$0x12] =	wrdreg s0  }
0x1c: {  	s26 =	smax.u32 s5, $0x1;
	s0 =	simm.s32 $0x50;
	[dreg:$0xf] =	wrdreg s22  }
0x1d: {  	s9 =	simm.s32 $0xA200;
	s11 =	simm.s32 $0x3;
	[dreg:$0x10] =	wrdreg s23  }
0x1e: {  	v0 =	vimm.f32 $0.0e+00;
	vm0 =	vmmov $0x1;
	s19 =	simm.s32 $0x5;
	[dreg:$0x14] =	wrdreg s26;
	s23 =	simm.s32 $0x0  }
.LBB2_1:
0x1f: {  	[dreg:$0x15] =	wrdreg s3;
	s2 =	simm.s32 $0x0;
	s3 =	simm.s32 $0x200  }
.LBB2_2:
0x20: {  	p0 =	sne.s32 s3, $0x9E00;
	[tilespmem:s2+$0x5270] =	vst v0  }
0x21: {  	[tilespmem:s2+$0x5200] =	vst v0  }
0x22: {  	[tilespmem:s2+$0x5210] =	vst v0  }
.Ltmp0:
0x23: {  	[tilespmem:s2+$0x5220] =	vst v0;
	(pc) =	sbr.rel @p0 .LBB2_2-.Ltmp0, $4  }
0x24: {  	[tilespmem:s2+$0x5230] =	vst v0  }
0x25: {  	[tilespmem:s2+$0x5240] =	vst v0  }
0x26: {  	[tilespmem:s2+$0x5250] =	vst v0  }
0x27: {  	[tilespmem:s2+$0x5260] =	vst v0;
	s2 =	sshra.s32 s3, $0x2;
	s3 =	sadd.s32 $0x200, s3  }
0x28: {  	[tilespmem:s2+$0x5270] =	vst v0  }
0x29: {  	[tilespmem:s2+$0x5200] =	vst v0  }
0x2a: {  	[tilespmem:s2+$0x5210] =	vst v0  }
0x2b: {  	[tilespmem:s2+$0x5220] =	vst v0  }
0x2c: {  	[tilespmem:s2+$0x5230] =	vst v0  }
0x2d: {  	[tilespmem:s2+$0x5240] =	vst v0  }
0x2e: {  	[tilespmem:s2+$0x5250] =	vst v0  }
0x2f: {  	[tilespmem:s2+$0x5260] =	vst v0  }
0x30: {  	[spmem:s13] =	stream.linear.scatter [tilespmem:s25], [sflag:$0x7], $0x2800, $0x38;
	[tilespmem:$0x1E580] =	vst v63  }
0x31: {  	_ =	swait.ge [sflag:s8], $0x2800  }
0x32: {  	[sflag:s8] =	ssyncset.done $0x0  }
0x33: {  	s13 =	rddreg [dreg:$0x6];
	[sflag:s8] =	ssyncadd.s32 $0xFFFFD800  }
0x34: {  	[spmem:s13] =	stream.linear.scatter [tilespmem:s25], [sflag:$0x7], $0x2800, $0x38;
	[tilespmem:$0x1E580] =	vst v63  }
0x35: {  	_ =	swait.ge [sflag:s8], $0x2800  }
0x36: {  	[sflag:s8] =	ssyncset.done $0x0  }
0x37: {  	s17 =	rddreg [dreg:$0x7];
	[sflag:s8] =	ssyncadd.s32 $0xFFFFD800  }
0x38: {  	[spmem:s17] =	stream.linear.scatter [tilespmem:s25], [sflag:$0x7], $0x2800, $0x38;
	[tilespmem:$0x1E580] =	vst v63  }
0x39: {  	_ =	swait.ge [sflag:s8], $0x2800  }
0x3a: {  	[sflag:s8] =	ssyncset.done $0x0  }
0x3b: {  	s22 =	rddreg [dreg:$0x8];
	[sflag:s8] =	ssyncadd.s32 $0xFFFFD800  }
0x3c: {  	[spmem:s22] =	stream.linear.scatter [tilespmem:s25], [sflag:$0x7], $0x2800, $0x38;
	[tilespmem:$0x1E580] =	vst v63  }
0x3d: {  	_ =	swait.ge [sflag:s8], $0x2800  }
0x3e: {  	[sflag:s8] =	ssyncset.done $0x0  }
0x3f: {  	s24 =	rddreg [dreg:$0x9];
	[sflag:s8] =	ssyncadd.s32 $0xFFFFD800  }
0x40: {  	[spmem:s24] =	stream.linear.scatter [tilespmem:s25], [sflag:$0x7], $0x2800, $0x38;
	[tilespmem:$0x1E580] =	vst v63  }
0x41: {  	_ =	swait.ge [sflag:s8], $0x2800  }
0x42: {  	[sflag:s8] =	ssyncset.done $0x0  }
0x43: {  	s26 =	rddreg [dreg:$0xa];
	[sflag:s8] =	ssyncadd.s32 $0xFFFFD800  }
0x44: {  	[spmem:s26] =	stream.linear.scatter [tilespmem:s25], [sflag:$0x7], $0x2800, $0x38;
	[tilespmem:$0x1E580] =	vst v63  }
0x45: {  	_ =	swait.ge [sflag:s8], $0x2800  }
0x46: {  	[sflag:s8] =	ssyncset.done $0x0  }
0x47: {  	s3 =	rddreg [dreg:$0xb];
	[sflag:s8] =	ssyncadd.s32 $0xFFFFD800  }
0x48: {  	[spmem:s3] =	stream.linear.scatter [tilespmem:s25], [sflag:$0x7], $0x2800, $0x38;
	[tilespmem:$0x1E580] =	vst v63  }
0x49: {  	_ =	swait.ge [sflag:s8], $0x2800  }
0x4a: {  	[sflag:s8] =	ssyncset.done $0x0  }
0x4b: {  	s5 =	rddreg [dreg:$0xc];
	[sflag:s8] =	ssyncadd.s32 $0xFFFFD800  }
0x4c: {  	[spmem:s5] =	stream.linear.scatter [tilespmem:s25], [sflag:$0x7], $0x2800, $0x38;
	[tilespmem:$0x1E580] =	vst v63  }
0x4d: {  	_ =	swait.ge [sflag:s8], $0x2800  }
0x4e: {  	[sflag:s8] =	ssyncset.done $0x0  }
0x4f: {  	[sflag:s8] =	ssyncadd.s32 $0xFFFFD800  }
0x50: {  	[bflag:$0x0] =	sbarrier.arrive $0xFFFF  }
0x51: {  	s13 =	rddreg [dreg:$0xd]  }
0x52: {  	[tilespmem:s23], [sflag:$0x1] =	stream.linear.gather [hbm4b:s13+s23], $0x50, $0x38;
	[tilespmem:$0x1E580] =	vst v63  }
0x53: {  	s17 =	rddreg [dreg:$0xe]  }
0x54: {  	[tilespmem:s28], [sflag:$0x1] =	stream.linear.gather [hbm4b:s17+s23], $0x50, $0x38;
	[tilespmem:$0x1E580] =	vst v63  }
0x55: {  	s22 =	rddreg [dreg:$0xf]  }
0x56: {  	[tilespmem:s29], [sflag:$0x2] =	stream.linear.gather [hbm4b:s22+s23], $0x50, $0x38;
	[tilespmem:$0x1E580] =	vst v63  }
0x57: {  	s24 =	rddreg [dreg:$0x10]  }
0x58: {  	[tilespmem:s30], [sflag:$0x2] =	stream.linear.gather [hbm4b:s24+s23], $0x50, $0x38;
	[tilespmem:$0x1E580] =	vst v63  }
0x59: {  	_ =	swait.ge [sflag:s31], $0x50  }
0x5a: {  	[sflag:s31] =	ssyncset.done $0x0  }
0x5b: {  	[sflag:s31] =	ssyncadd.s32 $0xFFFFFFB0  }
0x5c: {  	_ =	swait.ge [sflag:s31], $0x50  }
0x5d: {  	[sflag:s31] =	ssyncset.done $0x0  }
0x5e: {  	s26 =	simm.s32 $0x200;
	[sflag:s31] =	ssyncadd.s32 $0xFFFFFFB0  }
0x5f: {  	[tilespmem:s26], [sflag:$0x3] =	stream.indirect.gather [hbm4b:s1+s0], $0x80, s23, s0, $0xb8;
	[tilespmem:$0x1E580] =	vst v63  }
0x60: {  	_ = 	snop  }
0x61: {  	[tilespmem:s25], [sflag:$0x3] =	stream.indirect.gather [hbm4b:s1+s0], $0x80, s28, s0, $0xb8;
	[tilespmem:$0x1E580] =	vst v63  }
0x62: {  	_ = 	snop  }
0x63: {  	[tilespmem:s9], [sflag:$0x3] =	stream.indirect.gather [hbm4b:s7+s0], $0x1, s23, s0, $0xb8;
	[tilespmem:$0x1E580] =	vst v63  }
0x64: {  	s8 =	simm.s32 $0x0  }
0x65: {  	v1 =	vimm.f32 $0.0e+00;
	[tilespmem:s10], [sflag:$0x3] =	stream.indirect.gather [hbm4b:s7+s0], $0x1, s28, s0, $0xb8;
	[tilespmem:$0x1E580] =	vst v63  }
.LBB2_4:
0x66: {  	_ =	swait.ge [sflag:s11], $0x2800  }
0x67: {  	[sflag:s11] =	ssyncset.done $0x0  }
0x68: {  	[sflag:s11] =	ssyncadd.s32 $0xFFFFD800  }
0x69: {  	_ =	swait.ge [sflag:s11], $0x2800  }
0x6a: {  	[sflag:s11] =	ssyncset.done $0x0  }
0x6b: {  	[sflag:s11] =	ssyncadd.s32 $0xFFFFD800  }
0x6c: {  	_ =	swait.ge [sflag:s11], $0x50  }
0x6d: {  	[sflag:s11] =	ssyncset.done $0x0  }
0x6e: {  	[sflag:s11] =	ssyncadd.s32 $0xFFFFFFB0  }
0x6f: {  	_ =	swait.ge [sflag:s11], $0x50  }
0x70: {  	p0 =	seq.s32 s8, $0x0;
	[sflag:s11] =	ssyncset.done $0x0  }
0x71: {  	s2 =	simm.s32 @!p0 $0x6;
	[sflag:s11] =	ssyncadd.s32 $0xFFFFFFB0  }
0x72: {  	_ =	swait.ge @!p0 [sflag:s2], $0x2800  }
0x73: {  	[sflag:s2] =	ssyncset.done @!p0 $0x0  }
0x74: {  	[sflag:s2] =	ssyncadd.s32 @!p0 $0xFFFFD800  }
0x75: {  	_ =	swait.ge [sflag:s12], $0x50  }
0x76: {  	[sflag:s12] =	ssyncset.done $0x0  }
0x77: {  	[sflag:s12] =	ssyncadd.s32 $0xFFFFFFB0  }
0x78: {  	_ =	swait.ge [sflag:s12], $0x50  }
0x79: {  	[sflag:s12] =	ssyncset.done $0x0  }
0x7a: {  	s13 =	simm.s32 $0x2A00;
	[sflag:s12] =	ssyncadd.s32 $0xFFFFFFB0  }
0x7b: {  	[tilespmem:s13], [sflag:$0x4] =	stream.indirect.gather [hbm4b:s1+s0], $0x80, s29, s0, $0xb8;
	[tilespmem:$0x1E580] =	vst v63  }
0x7c: {  	_ = 	snop  }
0x7d: {  	[tilespmem:s14], [sflag:$0x4] =	stream.indirect.gather [hbm4b:s1+s0], $0x80, s30, s0, $0xb8;
	[tilespmem:$0x1E580] =	vst v63  }
0x7e: {  	_ = 	snop  }
0x7f: {  	[tilespmem:s15], [sflag:$0x4] =	stream.indirect.gather [hbm4b:s7+s0], $0x1, s29, s0, $0xb8;
	[tilespmem:$0x1E580] =	vst v63  }
0x80: {  	s17 =	simm.s32 $0x240  }
0x81: {  	[tilespmem:s16], [sflag:$0x4] =	stream.indirect.gather [hbm4b:s7+s0], $0x1, s30, s0, $0xb8;
	[tilespmem:$0x1E580] =	vst v63  }
0x82: {  	v4 =	vld [tilespmem:s17+$0xFFFFFFC0]  }
0x83: {  	v5 =	vld [tilespmem:s17+$0xFFFFFFD0]  }
0x84: {  	v6 =	vld [tilespmem:s17+$0xFFFFFFE0]  }
0x85: {  	v7 =	vld [tilespmem:s17+$0xFFFFFFF0]  }
0x86: {  	v8 =	vld [tilespmem:s17+$0x0]  }
0x87: {  	v9 =	vld [tilespmem:s17+$0x10]  }
0x88: {  	v16 =	vld [tilespmem:s17+$0x20]  }
0x89: {  	s24 =	simm.s32 $0x5240;
	v17 =	vld [tilespmem:s17+$0x30]  }
0x8a: {  	v2 =	vld [tilespmem:s24+$0xFFFFFFC0]  }
0x8b: {  	v15 =	vld [tilespmem:s24+$0xFFFFFFD0]  }
0x8c: {  	v12 =	vld [tilespmem:s24+$0xFFFFFFE0]  }
0x8d: {  	v14 =	vld [tilespmem:s24+$0xFFFFFFF0]  }
0x8e: {  	v11 =	vld [tilespmem:s24+$0x0]  }
0x8f: {  	v13 =	vld [tilespmem:s24+$0x10]  }
0x90: {  	v10 =	vld [tilespmem:s24+$0x20]  }
0x91: {  	v3 =	vld [tilespmem:s24+$0x30];
	_ =	sdelay $0x1  }
0x92: {  	s22 =	simm.s32 $0x2C0;
	v4 =	vmul.f32 v2, v4;
	v5 =	vmul.f32 v15, v5  }
0x93: {  	v18 =	vld [tilespmem:s22+$0xFFFFFFC0];
	v6 =	vmul.f32 v12, v6;
	v7 =	vmul.f32 v14, v7  }
0x94: {  	v19 =	vld [tilespmem:s22+$0xFFFFFFD0];
	v8 =	vmul.f32 v11, v8;
	v9 =	vmul.f32 v13, v9  }
0x95: {  	v20 =	vld [tilespmem:s22+$0xFFFFFFE0];
	v16 =	vmul.f32 v10, v16;
	v17 =	vmul.f32 v3, v17  }
0x96: {  	v21 =	vld [tilespmem:s22+$0xFFFFFFF0];
	v4 =	vadd.f32 v5, v4;
	v5 =	vadd.f32 v7, v6  }
0x97: {  	v23 =	vld [tilespmem:s22+$0x0];
	v6 =	vadd.f32 v9, v8;
	v7 =	vadd.f32 v17, v16  }
0x98: {  	v24 =	vld [tilespmem:s22+$0x10]  }
0x99: {  	v30 =	vld [tilespmem:s22+$0x20];
	v4 =	vadd.f32 v5, v4;
	v5 =	vadd.f32 v7, v6  }
0x9a: {  	s13 =	simm.s32 $0x52C0;
	v32 =	vld [tilespmem:s22+$0x30]  }
0x9b: {  	v17 =	vld [tilespmem:s13+$0xFFFFFFC0];
	v4 =	vadd.f32 v5, v4  }
0x9c: {  	v9 =	vld [tilespmem:s13+$0xFFFFFFF0]  }
0x9d: {  	v8 =	vld [tilespmem:s13+$0x0];
	(xrf2) =	vadd.scan.msk.f32 $0xffff, v4  }
0x9e: {  	v22 =	vmov s23;
	v16 =	vld [tilespmem:s13+$0x30]  }
0x9f: {  	v7 =	vld [tilespmem:s13+$0xFFFFFFD0]  }
0xa0: {  	v6 =	vld [tilespmem:s13+$0x10]  }
0xa1: {  	v5 =	vld [tilespmem:s13+$0xFFFFFFE0]  }
0xa2: {  	v4 =	vld [tilespmem:s13+$0x20]  }
0xa3: {  	v33 =	vld.idx.msk [tilespmem:v22+s10+$0x0], $0xffff  }
0xa4: {  	s3 =	simm.s32 $0x340;
	v34 =	vld.idx.msk [tilespmem:v22+s9+$0x0], $0xffff;
	v18 =	vmul.f32 v17, v18;
	v21 =	vmul.f32 v9, v21  }
0xa5: {  	v22 =	vld [tilespmem:s3+$0xFFFFFFC0];
	v23 =	vmul.f32 v8, v23;
	v36 =	vmul.f32 v16, v32  }
0xa6: {  	v26 =	vld [tilespmem:s3+$0xFFFFFFD0];
	v19 =	vmul.f32 v7, v19;
	v20 =	vmul.f32 v5, v20  }
0xa7: {  	v25 =	vld [tilespmem:s3+$0xFFFFFFE0];
	v24 =	vmul.f32 v6, v24;
	v30 =	vmul.f32 v4, v30;
	v29, _, _ =	vpop (xrf2)  }
0xa8: {  	v27 =	vld [tilespmem:s3+$0xFFFFFFF0];
	v18 =	vadd.f32 v19, v18;
	v19 =	vadd.f32 v21, v20;
	v35 =	vbroadcast v29, $0xF  }
0xa9: {  	v28 =	vld [tilespmem:s3+$0x0];
	v20 =	vadd.f32 v24, v23;
	v30 =	vadd.f32 v36, v30  }
0xaa: {  	v31 =	vld [tilespmem:s3+$0x20];
	v34 =	vmul.f32 v35, v34  }
0xab: {  	s17 =	simm.s32 $0x5340;
	v32 =	vld [tilespmem:s3+$0x30];
	v19 =	vadd.f32 v19, v18;
	v20 =	vadd.f32 v30, v20  }
0xac: {  	v21 =	vld [tilespmem:s17+$0xFFFFFFC0];
	v33 =	vmul.f32 v34, v33  }
0xad: {  	v24 =	vld [tilespmem:s17+$0xFFFFFFD0];
	v63 =	vadd.f32 v20, v19  }
0xae: {  	v23 =	vld [tilespmem:s17+$0xFFFFFFE0];
	v33 =	vadd.f32 $-1.000000000e+00, v33  }
0xaf: {  	s26 =	simm.s32 $0x1;
	v18 =	vld [tilespmem:s17+$0x0];
	(xrf2) =	vadd.scan.msk.f32 $0xffff, v63  }
0xb0: {  	v30 =	vld [tilespmem:s17+$0xFFFFFFF0];
	v34 =	vmov s26;
	v33 =	vmul.f32 $1.442695020e+00, v33  }
0xb1: {  	v29 =	vld [tilespmem:s3+$0x10]  }
0xb2: {  	v19 =	vld [tilespmem:s17+$0x10];
	(erf) = vpow2.f32 v33  }
0xb3: {  	v20 =	vld [tilespmem:s17+$0x20]  }
0xb4: {  	s2 =	simm.s32 $0x3;
	s22 =	simm.s32 $0x2;
	s26 =	simm.s32 $0x5340;
	v33 =	vld [tilespmem:s17+$0x30]  }
.LBB2_5:
0xb5: {  	p0 =	sne.s32 s2, $0x4F;
	v35 =	vld.idx.msk [tilespmem:v34+s10+$0x0], $0xffff;
	v36 =	vmov v30  }
0xb6: {  	v30 =	vmul.f32 v21, v22;
	v37 =	vmul.f32 v24, v26;
	s3 =	sadd.s32 $0x80, s3;
	v34 =	vld.idx.msk [tilespmem:v34+s9+$0x0], $0xffff  }
0xb7: {  	v38 =	vmul.f32 v23, v25;
	v39 =	vmul.f32 v36, v27;
	v22 =	vld [tilespmem:s3+$0xFFFFFFC0]  }
0xb8: {  	v41 =	vmul.f32 v18, v28;
	v29 =	vmul.f32 v19, v29;
	v26 =	vld [tilespmem:s3+$0xFFFFFFD0]  }
0xb9: {  	v31 =	vmul.f32 v20, v31;
	v25 =	vld [tilespmem:s3+$0xFFFFFFE0];
	v32 =	vmul.f32 v33, v32;
	v28, _, _ =	vpop (xrf2)  }
0xba: {  	v30 =	vadd.f32 v37, v30;
	v37 =	vadd.f32 v39, v38;
	v27 =	vld [tilespmem:s3+$0xFFFFFFF0];
	v38 =	vbroadcast v28, $0xF  }
0xbb: {  	v39 =	vadd.f32 v29, v41;
	v28 =	vld [tilespmem:s3+$0x0];
	v32 =	vadd.f32 v32, v31;
	v40 =	vpop (erf)  }
0xbc: {  	v29 =	vld [tilespmem:s3+$0x10];
	v34 =	vmul.f32 v38, v34;
	v38 =	vmul.f32 v40, v3;
	v41 =	vnsel vm0, $0x0, v40;
	v3 =	vmovc v16;
	v16 =	vmovc v33  }
0xbd: {  	v30 =	vadd.f32 v37, v30;
	v37 =	vmul.f32 v40, v2;
	v2 =	vmovc v17;
	v31 =	vld [tilespmem:s3+$0x20];
	v33 =	vadd.f32 v32, v39  }
0xbe: {  	s17 =	sadd.s32 $0x80, s17;
	v42 =	vmul.f32 v40, v15;
	v1 =	vadd.f32 v41, v1;
	v32 =	vld [tilespmem:s3+$0x30];
	v34 =	vmul.f32 v34, v35;
	[tilespmem:s24+$0x30] =	vst v38  }
0xbf: {  	v43 =	vmul.f32 v40, v14;
	v41 =	vmul.f32 v40, v12;
	v35 =	vld [tilespmem:s17+$0xFFFFFFC0];
	v30 =	vadd.f32 v33, v30;
	[tilespmem:s24+$0xFFFFFFC0] =	vst v37  }
0xc0: {  	v17 =	vmovc v21;
	v38 =	vmul.f32 v40, v13;
	v33 =	vld [tilespmem:s17+$0xFFFFFFD0];
	v37 =	vadd.f32 $-1.000000000e+00, v34;
	[tilespmem:s24+$0xFFFFFFD0] =	vst v42;
	v42 =	vmul.f32 v40, v11  }
0xc1: {  	v15 =	vmovc v7;
	v7 =	vmov v24;
	v40 =	vmul.f32 v40, v10;
	v39 =	vld [tilespmem:s17+$0xFFFFFFE0];
	(xrf2) =	vadd.scan.msk.f32 $0xffff, v30;
	[tilespmem:s24+$0xFFFFFFE0] =	vst v41  }
.Ltmp1:
0xc2: {  	v14 =	vmovc v9;
	v12 =	vmovc v5;
	v5 =	vmov v23;
	v34 =	vmov s22;
	s22 =	smov.u32 s2;
	v30 =	vld [tilespmem:s17+$0xFFFFFFF0];
	v37 =	vmul.f32 $1.442695020e+00, v37;
	[tilespmem:s24+$0xFFFFFFF0] =	vst v43;
	(pc) =	sbr.rel @p0 .LBB2_5-.Ltmp1, $4  }
0xc3: {  	v9 =	vmovc v36;
	v13 =	vmovc v6;
	v6 =	vmov v19;
	v11 =	vmov v8;
	v8 =	vmov v18;
	[tilespmem:s24+$0x0] =	vst v42;
	v18 =	vld [tilespmem:s17+$0x0]  }
0xc4: {  	v10 =	vmovc v4;
	v4 =	vmov v20;
	v19 =	vld [tilespmem:s17+$0x10];
	(erf) = vpow2.f32 v37;
	[tilespmem:s24+$0x10] =	vst v38;
	v21 =	vmov v35  }
0xc5: {  	v20 =	vld [tilespmem:s17+$0x20];
	[tilespmem:s24+$0x20] =	vst v40;
	v24 =	vmov v33;
	s24 =	smov.u32 s13;
	s13 =	smov.u32 s26;
	s26 =	smov.u32 s17  }
0xc6: {  	s2 =	sadd.s32 $0x1, s2;
	v33 =	vld [tilespmem:s17+$0x30];
	v23 =	vmov v39  }
0xc7: {  	_ = 	snop  }
0xc8: {  	v22 =	vmul.f32 v21, v22;
	v26 =	vmul.f32 v24, v26  }
0xc9: {  	v25 =	vmul.f32 v23, v25;
	v27 =	vmul.f32 v30, v27  }
0xca: {  	v28 =	vmul.f32 v18, v28;
	v29 =	vmul.f32 v19, v29  }
0xcb: {  	v31 =	vmul.f32 v20, v31;
	v32 =	vmul.f32 v33, v32  }
0xcc: {  	v22 =	vadd.f32 v26, v22;
	v25 =	vadd.f32 v27, v25  }
0xcd: {  	v26 =	vadd.f32 v29, v28;
	v27 =	vadd.f32 v32, v31;
	_ =	sdelay $0x1  }
0xce: {  	v22 =	vadd.f32 v25, v22;
	v25 =	vadd.f32 v27, v26;
	_ =	sdelay $0x1  }
0xcf: {  	v22 =	vadd.f32 v25, v22;
	_ =	sdelay $0x1  }
0xd0: {  	v25 =	vld.idx.msk [tilespmem:v34+s9+$0x0], $0xffff  }
0xd1: {  	(xrf2) =	vadd.scan.msk.f32 $0xffff, v22  }
0xd2: {  	v26 =	vld.idx.msk [tilespmem:v34+s10+$0x0], $0xffff;
	v22, _, _ =	vpop (xrf2)  }
0xd3: {  	v22 =	vbroadcast v22, $0xF  }
0xd4: {  	v27 =	vmov s22  }
0xd5: {  	v22 =	vmul.f32 v22, v25;
	_ =	sdelay $0x1  }
0xd6: {  	v22 =	vmul.f32 v22, v26;
	_ =	sdelay $0x1  }
0xd7: {  	v25 =	vld.idx.msk [tilespmem:v27+s9+$0x0], $0xffff;
	v22 =	vadd.f32 $-1.000000000e+00, v22;
	_ =	sdelay $0x1  }
0xd8: {  	v26 =	vld.idx.msk [tilespmem:v27+s10+$0x0], $0xffff;
	v27, _, _ =	vpop (xrf2);
	v22 =	vmul.f32 $1.442695020e+00, v22  }
0xd9: {  	v27 =	vbroadcast v27, $0xF;
	_ =	sdelay $0x1  }
0xda: {  	(erf) = vpow2.f32 v22;
	v25 =	vmul.f32 v27, v25  }
0xdb: {  	v22 =	vpop (erf)  }
0xdc: {  	v25 =	vmul.f32 v25, v26;
	v3 =	vmul.f32 v22, v3  }
0xdd: {  	v2 =	vmul.f32 v22, v2  }
0xde: {  	v15 =	vmul.f32 v22, v15;
	[tilespmem:s24+$0x30] =	vst v3;
	v3 =	vadd.f32 $-1.000000000e+00, v25  }
0xdf: {  	v11 =	vmul.f32 v22, v11;
	[tilespmem:s24+$0xFFFFFFC0] =	vst v2  }
0xe0: {  	v2 =	vmul.f32 v22, v12;
	[tilespmem:s24+$0xFFFFFFD0] =	vst v15;
	v3 =	vmul.f32 $1.442695020e+00, v3  }
0xe1: {  	v12 =	vmul.f32 v22, v14;
	[tilespmem:s24+$0x0] =	vst v11  }
0xe2: {  	[tilespmem:s24+$0xFFFFFFE0] =	vst v2;
	v2 =	vmul.f32 v22, v13;
	(erf) = vpow2.f32 v3  }
0xe3: {  	[tilespmem:s24+$0xFFFFFFF0] =	vst v12;
	v25 =	vpop (erf);
	v3 =	vmul.f32 v22, v10  }
0xe4: {  	[tilespmem:s24+$0x10] =	vst v2;
	v2 =	vmul.f32 v25, v16  }
0xe5: {  	v7 =	vmul.f32 v25, v7;
	[tilespmem:s24+$0x20] =	vst v3  }
0xe6: {  	v3 =	vmul.f32 v25, v17;
	[tilespmem:s13+$0x30] =	vst v2  }
0xe7: {  	v2 =	vmul.f32 v25, v5;
	[tilespmem:s13+$0xFFFFFFD0] =	vst v7  }
0xe8: {  	v5 =	vmul.f32 v25, v8;
	[tilespmem:s13+$0xFFFFFFC0] =	vst v3  }
0xe9: {  	v3 =	vmul.f32 v25, v9;
	[tilespmem:s13+$0xFFFFFFE0] =	vst v2  }
0xea: {  	v2 =	vmul.f32 v25, v6;
	[tilespmem:s13+$0x0] =	vst v5  }
0xeb: {  	[tilespmem:s13+$0xFFFFFFF0] =	vst v3;
	v3 =	vmul.f32 v25, v4;
	v26 =	vpop (erf)  }
0xec: {  	[tilespmem:s13+$0x10] =	vst v2;
	v2 =	vmul.f32 v26, v33  }
0xed: {  	[tilespmem:s13+$0x20] =	vst v3;
	v3 =	vmul.f32 v26, v21  }
0xee: {  	v4 =	vmul.f32 v26, v24;
	[tilespmem:s26+$0x30] =	vst v2  }
0xef: {  	[tilespmem:s26+$0xFFFFFFC0] =	vst v3;
	v2 =	vmul.f32 v26, v23  }
0xf0: {  	v3 =	vmul.f32 v26, v30;
	[tilespmem:s26+$0xFFFFFFD0] =	vst v4  }
0xf1: {  	v4 =	vmul.f32 v26, v18;
	[tilespmem:s26+$0xFFFFFFE0] =	vst v2  }
0xf2: {  	v2 =	vmul.f32 v26, v19;
	[tilespmem:s26+$0xFFFFFFF0] =	vst v3  }
0xf3: {  	v3 =	vmul.f32 v26, v20;
	[tilespmem:s26+$0x0] =	vst v4  }
0xf4: {  	[tilespmem:s26+$0x10] =	vst v2  }
0xf5: {  	[tilespmem:s26+$0x20] =	vst v3  }
0xf6: {  	v2 =	vld [tilespmem:$0x0]  }
0xf7: {  	v3 =	vld [tilespmem:$0x10]  }
0xf8: {  	v4 =	vld [tilespmem:$0x20]  }
0xf9: {  	v5 =	vld [tilespmem:$0x30]  }
0xfa: {  	v6 =	vld [tilespmem:$0x40]  }
0xfb: {  	[tilespmem:$0xA400] =	vst v2  }
0xfc: {  	s24 =	smul.u32 $0xA0, s8;
	[tilespmem:$0xA410] =	vst v3  }
0xfd: {  	[tilespmem:$0xA420] =	vst v4  }
0xfe: {  	s17 =	sadd.s32 s24, s20;
	[tilespmem:$0xA430] =	vst v5  }
0xff: {  	s2 =	simm.s32 $0xA400;
	s3 =	sshrl.u32 s17, $0x3;
	[tilespmem:$0xA440] =	vst v6  }
0x100: {  	[spmem:s4] =	stream.indirect.scatter.add.f32 [tilespmem:s25], [sflag:$0x5], $0x80, s2, s0, $0xb8;
	[tilespmem:$0x1E580] =	vst v63  }
0x101: {  	s22 =	simm.s32 $0x0;
	s5 =	sadd.s32 s6, s3  }
0x102: {  	[tilespmem:s22], [sflag:$0x1] =	stream.linear.gather [hbm4b:s5+s22], $0x50, $0x38;
	[tilespmem:$0x1E580] =	vst v63  }
0x103: {  	s3 =	sadd.s32 s21, s3  }
0x104: {  	[tilespmem:s28], [sflag:$0x1] =	stream.linear.gather [hbm4b:s3+s22], $0x50, $0x38;
	[tilespmem:$0x1E580] =	vst v63  }
0x105: {  	_ =	swait.ge [sflag:s18], $0x2800  }
0x106: {  	[sflag:s18] =	ssyncset.done $0x0  }
0x107: {  	[sflag:s18] =	ssyncadd.s32 $0xFFFFD800  }
0x108: {  	_ =	swait.ge [sflag:s18], $0x2800  }
0x109: {  	[sflag:s18] =	ssyncset.done $0x0  }
0x10a: {  	[sflag:s18] =	ssyncadd.s32 $0xFFFFD800  }
0x10b: {  	_ =	swait.ge [sflag:s18], $0x50  }
0x10c: {  	[sflag:s18] =	ssyncset.done $0x0  }
0x10d: {  	[sflag:s18] =	ssyncadd.s32 $0xFFFFFFB0  }
0x10e: {  	_ =	swait.ge [sflag:s18], $0x50  }
0x10f: {  	[sflag:s18] =	ssyncset.done $0x0  }
0x110: {  	[sflag:s18] =	ssyncadd.s32 $0xFFFFFFB0  }
0x111: {  	_ =	swait.ge [sflag:s19], $0x2800  }
0x112: {  	[sflag:s19] =	ssyncset.done $0x0  }
0x113: {  	[sflag:s19] =	ssyncadd.s32 $0xFFFFD800  }
0x114: {  	_ =	swait.ge [sflag:s31], $0x50  }
0x115: {  	[sflag:s31] =	ssyncset.done $0x0  }
0x116: {  	[sflag:s31] =	ssyncadd.s32 $0xFFFFFFB0  }
0x117: {  	_ =	swait.ge [sflag:s31], $0x50  }
0x118: {  	[sflag:s31] =	ssyncset.done $0x0  }
0x119: {  	s5 =	simm.s32 $0x200;
	[sflag:s31] =	ssyncadd.s32 $0xFFFFFFB0  }
0x11a: {  	[tilespmem:s5], [sflag:$0x3] =	stream.indirect.gather [hbm4b:s1+s0], $0x80, s22, s0, $0xb8;
	[tilespmem:$0x1E580] =	vst v63  }
0x11b: {  	_ = 	snop  }
0x11c: {  	[tilespmem:s25], [sflag:$0x3] =	stream.indirect.gather [hbm4b:s1+s0], $0x80, s28, s0, $0xb8;
	[tilespmem:$0x1E580] =	vst v63  }
0x11d: {  	_ = 	snop  }
0x11e: {  	[tilespmem:s9], [sflag:$0x3] =	stream.indirect.gather [hbm4b:s7+s0], $0x1, s22, s0, $0xb8;
	[tilespmem:$0x1E580] =	vst v63  }
0x11f: {  	s13 =	simm.s32 $0x2A40  }
0x120: {  	[tilespmem:s10], [sflag:$0x3] =	stream.indirect.gather [hbm4b:s7+s0], $0x1, s28, s0, $0xb8;
	[tilespmem:$0x1E580] =	vst v63  }
0x121: {  	v4 =	vld [tilespmem:s13+$0xFFFFFFC0]  }
0x122: {  	v5 =	vld [tilespmem:s13+$0xFFFFFFD0]  }
0x123: {  	v6 =	vld [tilespmem:s13+$0xFFFFFFE0]  }
0x124: {  	v7 =	vld [tilespmem:s13+$0xFFFFFFF0]  }
0x125: {  	v8 =	vld [tilespmem:s13+$0x0]  }
0x126: {  	v9 =	vld [tilespmem:s13+$0x10]  }
0x127: {  	v16 =	vld [tilespmem:s13+$0x20]  }
0x128: {  	s26 =	simm.s32 $0x7A40;
	v17 =	vld [tilespmem:s13+$0x30]  }
0x129: {  	v2 =	vld [tilespmem:s26+$0xFFFFFFC0]  }
0x12a: {  	v15 =	vld [tilespmem:s26+$0xFFFFFFD0]  }
0x12b: {  	v12 =	vld [tilespmem:s26+$0xFFFFFFE0]  }
0x12c: {  	v14 =	vld [tilespmem:s26+$0xFFFFFFF0]  }
0x12d: {  	v11 =	vld [tilespmem:s26+$0x0]  }
0x12e: {  	v13 =	vld [tilespmem:s26+$0x10]  }
0x12f: {  	v10 =	vld [tilespmem:s26+$0x20]  }
0x130: {  	v3 =	vld [tilespmem:s26+$0x30];
	_ =	sdelay $0x1  }
0x131: {  	s17 =	simm.s32 $0x2AC0;
	v4 =	vmul.f32 v2, v4;
	v5 =	vmul.f32 v15, v5  }
0x132: {  	v18 =	vld [tilespmem:s17+$0xFFFFFFC0];
	v6 =	vmul.f32 v12, v6;
	v7 =	vmul.f32 v14, v7  }
0x133: {  	v19 =	vld [tilespmem:s17+$0xFFFFFFD0];
	v8 =	vmul.f32 v11, v8;
	v9 =	vmul.f32 v13, v9  }
0x134: {  	v20 =	vld [tilespmem:s17+$0xFFFFFFE0];
	v16 =	vmul.f32 v10, v16;
	v17 =	vmul.f32 v3, v17  }
0x135: {  	v21 =	vld [tilespmem:s17+$0xFFFFFFF0];
	v4 =	vadd.f32 v5, v4;
	v5 =	vadd.f32 v7, v6  }
0x136: {  	v23 =	vld [tilespmem:s17+$0x0];
	v6 =	vadd.f32 v9, v8;
	v7 =	vadd.f32 v17, v16  }
0x137: {  	v61 =	vld [tilespmem:s17+$0x10]  }
0x138: {  	v62 =	vld [tilespmem:s17+$0x20];
	v4 =	vadd.f32 v5, v4;
	v5 =	vadd.f32 v7, v6  }
0x139: {  	v63 =	vld [tilespmem:s17+$0x30];
	s13 =	simm.s32 $0x7AC0  }
0x13a: {  	v17 =	vld [tilespmem:s13+$0xFFFFFFC0];
	v4 =	vadd.f32 v5, v4  }
0x13b: {  	v9 =	vld [tilespmem:s13+$0xFFFFFFF0]  }
0x13c: {  	v8 =	vld [tilespmem:s13+$0x0];
	(xrf2) =	vadd.scan.msk.f32 $0xffff, v4  }
0x13d: {  	v24 =	vmov s22;
	v16 =	vld [tilespmem:s13+$0x30]  }
0x13e: {  	v7 =	vld [tilespmem:s13+$0xFFFFFFD0]  }
0x13f: {  	v6 =	vld [tilespmem:s13+$0x10]  }
0x140: {  	v5 =	vld [tilespmem:s13+$0xFFFFFFE0]  }
0x141: {  	v4 =	vld [tilespmem:s13+$0x20]  }
0x142: {  	v35 =	vld.idx.msk [tilespmem:v24+s16+$0x0], $0xffff  }
0x143: {  	s3 =	simm.s32 $0x2B40;
	v36 =	vld.idx.msk [tilespmem:v24+s15+$0x0], $0xffff;
	v18 =	vmul.f32 v17, v18;
	v21 =	vmul.f32 v9, v21  }
0x144: {  	v24 =	vld [tilespmem:s3+$0xFFFFFFC0];
	v23 =	vmul.f32 v8, v23;
	v19 =	vmul.f32 v7, v19  }
0x145: {  	v28 =	vld [tilespmem:s3+$0xFFFFFFD0];
	v32 =	vmul.f32 v6, v61;
	v20 =	vmul.f32 v5, v20  }
0x146: {  	v27 =	vld [tilespmem:s3+$0xFFFFFFE0];
	v18 =	vadd.f32 v19, v18;
	v19 =	vmul.f32 v16, v63;
	v38 =	vmul.f32 v4, v62;
	v31, _, _ =	vpop (xrf2)  }
0x147: {  	v29 =	vld [tilespmem:s3+$0xFFFFFFF0];
	v32 =	vadd.f32 v32, v23;
	v37 =	vbroadcast v31, $0xF  }
0x148: {  	v30 =	vld [tilespmem:s3+$0x0];
	v23 =	vnsel vm0, $0x0, v22;
	v20 =	vadd.f32 v21, v20;
	v19 =	vadd.f32 v19, v38  }
0x149: {  	v33 =	vld [tilespmem:s3+$0x20];
	v1 =	vadd.f32 v23, v1;
	v36 =	vmul.f32 v37, v36  }
0x14a: {  	v34 =	vld [tilespmem:s3+$0x30];
	s17 =	simm.s32 $0x7B40;
	v20 =	vadd.f32 v20, v18;
	v19 =	vadd.f32 v19, v32  }
0x14b: {  	v25 =	vnsel vm0, $0x0, v25;
	v22 =	vld [tilespmem:s17+$0xFFFFFFD0];
	v35 =	vmul.f32 v36, v35  }
0x14c: {  	v23 =	vld [tilespmem:s17+$0xFFFFFFE0];
	v1 =	vadd.f32 v25, v1;
	v25 =	vadd.f32 v19, v20  }
0x14d: {  	v21 =	vld [tilespmem:s17+$0xFFFFFFC0];
	v35 =	vadd.f32 $-1.000000000e+00, v35  }
0x14e: {  	v26 =	vnsel vm0, $0x0, v26;
	s22 =	simm.s32 $0x1;
	v18 =	vld [tilespmem:s17+$0x0];
	(xrf2) =	vadd.scan.msk.f32 $0xffff, v25  }
0x14f: {  	v1 =	vadd.f32 v26, v1;
	v26 =	vmov s22;
	v32 =	vld [tilespmem:s17+$0xFFFFFFF0];
	v35 =	vmul.f32 $1.442695020e+00, v35  }
0x150: {  	v31 =	vld [tilespmem:s3+$0x10]  }
0x151: {  	v19 =	vld [tilespmem:s17+$0x10];
	(erf) = vpow2.f32 v35  }
0x152: {  	v20 =	vld [tilespmem:s17+$0x20]  }
0x153: {  	s2 =	simm.s32 $0x2;
	s5 =	simm.s32 $0x3;
	s22 =	simm.s32 $0x7B40;
	v25 =	vld [tilespmem:s17+$0x30]  }
.LBB2_7:
0x154: {  	p0 =	sne.s32 s5, $0x4F;
	v35 =	vld.idx.msk [tilespmem:v26+s16+$0x0], $0xffff;
	v36 =	vmov v32  }
0x155: {  	v32 =	vmul.f32 v21, v24;
	v37 =	vmul.f32 v22, v28;
	s3 =	sadd.s32 $0x80, s3;
	v26 =	vld.idx.msk [tilespmem:v26+s15+$0x0], $0xffff  }
0x156: {  	v38 =	vmul.f32 v23, v27;
	v39 =	vmul.f32 v36, v29;
	v24 =	vld [tilespmem:s3+$0xFFFFFFC0]  }
0x157: {  	v41 =	vmul.f32 v18, v30;
	v31 =	vmul.f32 v19, v31;
	v28 =	vld [tilespmem:s3+$0xFFFFFFD0]  }
0x158: {  	v33 =	vmul.f32 v20, v33;
	v27 =	vld [tilespmem:s3+$0xFFFFFFE0];
	v34 =	vmul.f32 v25, v34;
	v30, _, _ =	vpop (xrf2)  }
0x159: {  	v32 =	vadd.f32 v37, v32;
	v37 =	vadd.f32 v39, v38;
	v29 =	vld [tilespmem:s3+$0xFFFFFFF0];
	v38 =	vbroadcast v30, $0xF  }
0x15a: {  	v39 =	vadd.f32 v31, v41;
	v30 =	vld [tilespmem:s3+$0x0];
	v34 =	vadd.f32 v34, v33;
	v40 =	vpop (erf)  }
0x15b: {  	v31 =	vld [tilespmem:s3+$0x10];
	v26 =	vmul.f32 v38, v26;
	v38 =	vmul.f32 v40, v3;
	v41 =	vnsel vm0, $0x0, v40;
	v3 =	vmovc v16;
	v16 =	vmovc v25  }
0x15c: {  	v25 =	vadd.f32 v37, v32;
	v37 =	vmul.f32 v40, v2;
	v2 =	vmovc v17;
	v33 =	vld [tilespmem:s3+$0x20];
	v32 =	vadd.f32 v34, v39  }
0x15d: {  	s17 =	sadd.s32 $0x80, s17;
	v42 =	vmul.f32 v40, v15;
	v1 =	vadd.f32 v41, v1;
	v34 =	vld [tilespmem:s3+$0x30];
	v26 =	vmul.f32 v26, v35;
	[tilespmem:s26+$0x30] =	vst v38  }
0x15e: {  	v43 =	vmul.f32 v40, v12;
	v44 =	vmul.f32 v40, v14;
	v35 =	vld [tilespmem:s17+$0xFFFFFFC0];
	v25 =	vadd.f32 v32, v25;
	[tilespmem:s26+$0xFFFFFFC0] =	vst v37  }
0x15f: {  	v17 =	vmovc v21;
	v39 =	vmul.f32 v40, v13;
	v37 =	vld [tilespmem:s17+$0xFFFFFFD0];
	v38 =	vadd.f32 $-1.000000000e+00, v26;
	[tilespmem:s26+$0xFFFFFFD0] =	vst v42;
	v42 =	vmul.f32 v40, v11  }
0x160: {  	v15 =	vmovc v7;
	v7 =	vmov v22;
	v41 =	vld [tilespmem:s17+$0xFFFFFFE0];
	(xrf2) =	vadd.scan.msk.f32 $0xffff, v25;
	[tilespmem:s26+$0xFFFFFFE0] =	vst v43;
	v25 =	vmul.f32 v40, v10  }
.Ltmp2:
0x161: {  	v12 =	vmovc v5;
	v5 =	vmovc v23;
	v14 =	vmov v9;
	v26 =	vmov s2;
	s2 =	smov.u32 s5;
	v32 =	vld [tilespmem:s17+$0xFFFFFFF0];
	v38 =	vmul.f32 $1.442695020e+00, v38;
	[tilespmem:s26+$0xFFFFFFF0] =	vst v44;
	(pc) =	sbr.rel @p0 .LBB2_7-.Ltmp2, $4  }
0x162: {  	v9 =	vmovc v36;
	v13 =	vmovc v6;
	v6 =	vmov v19;
	v11 =	vmov v8;
	v8 =	vmov v18;
	[tilespmem:s26+$0x0] =	vst v42;
	v18 =	vld [tilespmem:s17+$0x0]  }
0x163: {  	v10 =	vmovc v4;
	v4 =	vmov v20;
	v19 =	vld [tilespmem:s17+$0x10];
	(erf) = vpow2.f32 v38;
	[tilespmem:s26+$0x10] =	vst v39;
	v21 =	vmov v35  }
0x164: {  	v20 =	vld [tilespmem:s17+$0x20];
	[tilespmem:s26+$0x20] =	vst v25;
	v22 =	vmov v37;
	s26 =	smov.u32 s13;
	s13 =	smov.u32 s22;
	s22 =	smov.u32 s17  }
0x165: {  	s5 =	sadd.s32 $0x1, s5;
	v25 =	vld [tilespmem:s17+$0x30];
	v23 =	vmov v41  }
0x166: {  	_ = 	snop  }
0x167: {  	v24 =	vmul.f32 v21, v24;
	v28 =	vmul.f32 v22, v28  }
0x168: {  	v27 =	vmul.f32 v23, v27;
	v29 =	vmul.f32 v32, v29  }
0x169: {  	v30 =	vmul.f32 v18, v30;
	v31 =	vmul.f32 v19, v31  }
0x16a: {  	v33 =	vmul.f32 v20, v33;
	v34 =	vmul.f32 v25, v34  }
0x16b: {  	v24 =	vadd.f32 v28, v24;
	v27 =	vadd.f32 v29, v27  }
0x16c: {  	v41 =	vadd.f32 v31, v30;
	v42 =	vadd.f32 v34, v33;
	_ =	sdelay $0x1  }
0x16d: {  	v24 =	vadd.f32 v27, v24;
	v43 =	vadd.f32 v42, v41;
	_ =	sdelay $0x1  }
0x16e: {  	v24 =	vadd.f32 v43, v24;
	_ =	sdelay $0x1  }
0x16f: {  	(xrf2) =	vadd.scan.msk.f32 $0xffff, v24  }
0x170: {  	v44 =	vld.idx.msk [tilespmem:v26+s15+$0x0], $0xffff;
	_ =	sdelay $0x1  }
0x171: {  	v46 =	vld.idx.msk [tilespmem:v26+s16+$0x0], $0xffff;
	v47 =	vmov s2;
	v45, _, _ =	vpop (xrf2)  }
0x172: {  	v24 =	vbroadcast v45, $0xF;
	_ =	sdelay $0x1  }
0x173: {  	v24 =	vmul.f32 v24, v44;
	_ =	sdelay $0x1  }
0x174: {  	v48 =	vld.idx.msk [tilespmem:v47+s15+$0x0], $0xffff;
	v24 =	vmul.f32 v24, v46;
	_ =	sdelay $0x1  }
0x175: {  	v49 =	vld.idx.msk [tilespmem:v47+s16+$0x0], $0xffff;
	v24 =	vadd.f32 $-1.000000000e+00, v24;
	v50, _, _ =	vpop (xrf2)  }
0x176: {  	v28 =	vbroadcast v50, $0xF  }
0x177: {  	v24 =	vmul.f32 $1.442695020e+00, v24  }
0x178: {  	v51 =	vmul.f32 v28, v48  }
0x179: {  	v52 =	vpop (erf);
	(erf) = vpow2.f32 v24  }
0x17a: {  	v3 =	vmul.f32 v52, v3;
	v24 =	vmul.f32 v51, v49;
	_ =	sdelay $0x1  }
0x17b: {  	v2 =	vmul.f32 v52, v2;
	[tilespmem:s26+$0x30] =	vst v3;
	v3 =	vadd.f32 $-1.000000000e+00, v24  }
0x17c: {  	v15 =	vmul.f32 v52, v15  }
0x17d: {  	v53 =	vmul.f32 v52, v14;
	[tilespmem:s26+$0xFFFFFFC0] =	vst v2;
	v3 =	vmul.f32 $1.442695020e+00, v3  }
0x17e: {  	v2 =	vmul.f32 v52, v12;
	[tilespmem:s26+$0xFFFFFFD0] =	vst v15  }
0x17f: {  	v11 =	vmul.f32 v52, v11;
	[tilespmem:s26+$0xFFFFFFF0] =	vst v53  }
0x180: {  	[tilespmem:s26+$0xFFFFFFE0] =	vst v2;
	v2 =	vmul.f32 v52, v13;
	(erf) = vpow2.f32 v3  }
0x181: {  	v10 =	vmul.f32 v52, v10;
	[tilespmem:s26+$0x0] =	vst v11;
	v3 =	vpop (erf)  }
0x182: {  	[tilespmem:s26+$0x10] =	vst v2;
	v2 =	vmul.f32 v3, v16  }
0x183: {  	[tilespmem:s26+$0x20] =	vst v10;
	v54 =	vmul.f32 v3, v17  }
0x184: {  	v7 =	vmul.f32 v3, v7;
	[tilespmem:s13+$0x30] =	vst v2  }
0x185: {  	v55 =	vmul.f32 v3, v9;
	[tilespmem:s13+$0xFFFFFFC0] =	vst v54  }
0x186: {  	v2 =	vmul.f32 v3, v5;
	[tilespmem:s13+$0xFFFFFFD0] =	vst v7  }
0x187: {  	v56 =	vmul.f32 v3, v8;
	[tilespmem:s13+$0xFFFFFFF0] =	vst v55  }
0x188: {  	[tilespmem:s13+$0xFFFFFFE0] =	vst v2;
	v2 =	vmul.f32 v3, v6  }
0x189: {  	v4 =	vmul.f32 v3, v4;
	[tilespmem:s13+$0x0] =	vst v56;
	v57 =	vpop (erf)  }
0x18a: {  	[tilespmem:s13+$0x10] =	vst v2;
	v2 =	vmul.f32 v57, v25  }
0x18b: {  	[tilespmem:s13+$0x20] =	vst v4;
	v58 =	vmul.f32 v57, v21  }
0x18c: {  	v59 =	vmul.f32 v57, v22;
	[tilespmem:s22+$0x30] =	vst v2  }
0x18d: {  	v60 =	vmul.f32 v57, v32;
	[tilespmem:s22+$0xFFFFFFC0] =	vst v58  }
0x18e: {  	v61 =	vmul.f32 v57, v18;
	[tilespmem:s22+$0xFFFFFFD0] =	vst v59  }
0x18f: {  	v2 =	vmul.f32 v57, v23;
	[tilespmem:s22+$0xFFFFFFF0] =	vst v60  }
0x190: {  	v62 =	vmul.f32 v57, v20;
	[tilespmem:s22+$0x0] =	vst v61  }
0x191: {  	[tilespmem:s22+$0xFFFFFFE0] =	vst v2;
	v2 =	vmul.f32 v57, v19  }
0x192: {  	[tilespmem:s22+$0x20] =	vst v62  }
0x193: {  	[tilespmem:s22+$0x10] =	vst v2  }
0x194: {  	v2 =	vld [tilespmem:$0x80]  }
0x195: {  	v4 =	vld [tilespmem:$0x90]  }
0x196: {  	v6 =	vld [tilespmem:$0xA0]  }
0x197: {  	v7 =	vld [tilespmem:$0xB0]  }
0x198: {  	v63 =	vld [tilespmem:$0xC0]  }
0x199: {  	p0 =	seq.s32 s8, $0x3D;
	[tilespmem:$0xA480] =	vst v2;
	v2 =	vnsel vm0, $0x0, v52  }
.Ltmp3:
0x19a: {  	[tilespmem:$0xA490] =	vst v4;
	v1 =	vadd.f32 v2, v1;
	(pc) =	sbr.rel @p0 .LBB2_10-.Ltmp3, $4  }
0x19b: {  	[tilespmem:$0xA4A0] =	vst v6;
	v2 =	vnsel vm0, $0x0, v3  }
0x19c: {  	[tilespmem:$0xA4B0] =	vst v7;
	v1 =	vadd.f32 v2, v1  }
0x19d: {  	s26 =	simm.s32 $0xA480;
	[tilespmem:$0xA4C0] =	vst v63;
	v2 =	vnsel vm0, $0x0, v57  }
0x19e: {  	[spmem:s4] =	stream.indirect.scatter.add.f32 [tilespmem:s14], [sflag:$0x6], $0x80, s26, s0, $0xb8;
	v1 =	vadd.f32 v2, v1;
	[tilespmem:$0x1E580] =	vst v63  }
0x19f: {  	s2 =	rddreg [dreg:$0x11]  }
0x1a0: {  	s2 =	sadd.s32 s24, s2  }
.Ltmp4:
0x1a1: {  	s2 =	sshrl.u32 s2, $0x3;
	(pc) =	sbr.rel .LBB2_4-.Ltmp4, $4  }
0x1a2: {  	s5 =	simm.s32 $0x0;
	s3 =	sadd.s32 s6, s2  }
0x1a3: {  	[tilespmem:s29], [sflag:$0x2] =	stream.linear.gather [hbm4b:s3+s5], $0x50, $0x38;
	[tilespmem:$0x1E580] =	vst v63  }
0x1a4: {  	s8 =	sadd.s32 $0x1, s8;
	s2 =	sadd.s32 s21, s2  }
0x1a5: {  	[tilespmem:s30], [sflag:$0x2] =	stream.linear.gather [hbm4b:s2+s5], $0x50, $0x38;
	[tilespmem:$0x1E580] =	vst v63  }
.LBB2_10:
0x1a6: {  	_ =	swait.ge [sflag:s11], $0x2800  }
0x1a7: {  	[sflag:s11] =	ssyncset.done $0x0  }
0x1a8: {  	[sflag:s11] =	ssyncadd.s32 $0xFFFFD800  }
0x1a9: {  	_ =	swait.ge [sflag:s11], $0x2800  }
0x1aa: {  	[sflag:s11] =	ssyncset.done $0x0  }
0x1ab: {  	[sflag:s11] =	ssyncadd.s32 $0xFFFFD800  }
0x1ac: {  	_ =	swait.ge [sflag:s11], $0x50  }
0x1ad: {  	[sflag:s11] =	ssyncset.done $0x0  }
0x1ae: {  	[sflag:s11] =	ssyncadd.s32 $0xFFFFFFB0  }
0x1af: {  	_ =	swait.ge [sflag:s11], $0x50  }
0x1b0: {  	[sflag:s11] =	ssyncset.done $0x0  }
0x1b1: {  	s2 =	simm.s32 $0x240;
	[sflag:s11] =	ssyncadd.s32 $0xFFFFFFB0  }
0x1b2: {  	v4 =	vld [tilespmem:s2+$0xFFFFFFC0]  }
0x1b3: {  	v5 =	vld [tilespmem:s2+$0xFFFFFFD0]  }
0x1b4: {  	v6 =	vld [tilespmem:s2+$0xFFFFFFE0]  }
0x1b5: {  	v7 =	vld [tilespmem:s2+$0xFFFFFFF0]  }
0x1b6: {  	v8 =	vld [tilespmem:s2+$0x0]  }
0x1b7: {  	v10 =	vld [tilespmem:s2+$0x10]  }
0x1b8: {  	v16 =	vld [tilespmem:s2+$0x20]  }
0x1b9: {  	s8 =	simm.s32 $0x5240;
	v17 =	vld [tilespmem:s2+$0x30]  }
0x1ba: {  	v2 =	vld [tilespmem:s8+$0xFFFFFFC0]  }
0x1bb: {  	v15 =	vld [tilespmem:s8+$0xFFFFFFD0]  }
0x1bc: {  	v12 =	vld [tilespmem:s8+$0xFFFFFFE0]  }
0x1bd: {  	v14 =	vld [tilespmem:s8+$0xFFFFFFF0]  }
0x1be: {  	v11 =	vld [tilespmem:s8+$0x0]  }
0x1bf: {  	v13 =	vld [tilespmem:s8+$0x10]  }
0x1c0: {  	v9 =	vld [tilespmem:s8+$0x20]  }
0x1c1: {  	v3 =	vld [tilespmem:s8+$0x30];
	_ =	sdelay $0x1  }
0x1c2: {  	s24 =	simm.s32 $0x2C0;
	v4 =	vmul.f32 v2, v4;
	v5 =	vmul.f32 v15, v5  }
0x1c3: {  	v18 =	vld [tilespmem:s24+$0xFFFFFFC0];
	v6 =	vmul.f32 v12, v6;
	v7 =	vmul.f32 v14, v7  }
0x1c4: {  	v19 =	vld [tilespmem:s24+$0xFFFFFFD0];
	v8 =	vmul.f32 v11, v8;
	v10 =	vmul.f32 v13, v10  }
0x1c5: {  	v20 =	vld [tilespmem:s24+$0xFFFFFFE0];
	v16 =	vmul.f32 v9, v16;
	v17 =	vmul.f32 v3, v17  }
0x1c6: {  	v21 =	vld [tilespmem:s24+$0xFFFFFFF0];
	v4 =	vadd.f32 v5, v4;
	v5 =	vadd.f32 v7, v6  }
0x1c7: {  	v22 =	vld [tilespmem:s24+$0x0];
	v6 =	vadd.f32 v10, v8;
	v7 =	vadd.f32 v17, v16  }
0x1c8: {  	v23 =	vld [tilespmem:s24+$0x10]  }
0x1c9: {  	v30 =	vld [tilespmem:s24+$0x20];
	v4 =	vadd.f32 v5, v4;
	v6 =	vadd.f32 v7, v6  }
0x1ca: {  	s13 =	simm.s32 $0x52C0;
	v32 =	vld [tilespmem:s24+$0x30]  }
0x1cb: {  	v17 =	vld [tilespmem:s13+$0xFFFFFFC0];
	v4 =	vadd.f32 v6, v4  }
0x1cc: {  	v10 =	vld [tilespmem:s13+$0xFFFFFFF0]  }
0x1cd: {  	s26 =	simm.s32 $0x0;
	v8 =	vld [tilespmem:s13+$0x0];
	(xrf2) =	vadd.scan.msk.f32 $0xffff, v4  }
0x1ce: {  	v24 =	vmov s26;
	v16 =	vld [tilespmem:s13+$0x30]  }
0x1cf: {  	v5 =	vld [tilespmem:s13+$0xFFFFFFD0]  }
0x1d0: {  	v7 =	vld [tilespmem:s13+$0x10]  }
0x1d1: {  	v6 =	vld [tilespmem:s13+$0xFFFFFFE0]  }
0x1d2: {  	v4 =	vld [tilespmem:s13+$0x20]  }
0x1d3: {  	v33 =	vld.idx.msk [tilespmem:v24+s10+$0x0], $0xffff  }
0x1d4: {  	s3 =	simm.s32 $0x340;
	v34 =	vld.idx.msk [tilespmem:v24+s9+$0x0], $0xffff;
	v18 =	vmul.f32 v17, v18;
	v21 =	vmul.f32 v10, v21  }
0x1d5: {  	v24 =	vld [tilespmem:s3+$0xFFFFFFC0];
	v22 =	vmul.f32 v8, v22;
	v36 =	vmul.f32 v16, v32  }
0x1d6: {  	v26 =	vld [tilespmem:s3+$0xFFFFFFD0];
	v19 =	vmul.f32 v5, v19;
	v20 =	vmul.f32 v6, v20  }
0x1d7: {  	v25 =	vld [tilespmem:s3+$0xFFFFFFE0];
	v23 =	vmul.f32 v7, v23;
	v30 =	vmul.f32 v4, v30;
	v29, _, _ =	vpop (xrf2)  }
0x1d8: {  	v27 =	vld [tilespmem:s3+$0xFFFFFFF0];
	v18 =	vadd.f32 v19, v18;
	v19 =	vadd.f32 v21, v20;
	v35 =	vbroadcast v29, $0xF  }
0x1d9: {  	v28 =	vld [tilespmem:s3+$0x0];
	v20 =	vadd.f32 v23, v22;
	v30 =	vadd.f32 v36, v30  }
0x1da: {  	v31 =	vld [tilespmem:s3+$0x20];
	v34 =	vmul.f32 v35, v34  }
0x1db: {  	s17 =	simm.s32 $0x5340;
	v32 =	vld [tilespmem:s3+$0x30];
	v19 =	vadd.f32 v19, v18;
	v20 =	vadd.f32 v30, v20  }
0x1dc: {  	v21 =	vld [tilespmem:s17+$0xFFFFFFC0];
	v33 =	vmul.f32 v34, v33  }
0x1dd: {  	v23 =	vld [tilespmem:s17+$0xFFFFFFD0];
	v63 =	vadd.f32 v20, v19  }
0x1de: {  	v22 =	vld [tilespmem:s17+$0xFFFFFFE0];
	v33 =	vadd.f32 $-1.000000000e+00, v33  }
0x1df: {  	s5 =	simm.s32 $0x1;
	v18 =	vld [tilespmem:s17+$0x0];
	(xrf2) =	vadd.scan.msk.f32 $0xffff, v63  }
0x1e0: {  	v30 =	vld [tilespmem:s17+$0xFFFFFFF0];
	v34 =	vmov s5;
	v33 =	vmul.f32 $1.442695020e+00, v33  }
0x1e1: {  	v29 =	vld [tilespmem:s3+$0x10]  }
0x1e2: {  	v19 =	vld [tilespmem:s17+$0x10];
	(erf) = vpow2.f32 v33  }
0x1e3: {  	v20 =	vld [tilespmem:s17+$0x20]  }
0x1e4: {  	s22 =	simm.s32 $0x5340;
	s2 =	simm.s32 $0x2;
	s5 =	simm.s32 $0x3;
	v33 =	vld [tilespmem:s17+$0x30]  }
.LBB2_11:
0x1e5: {  	p0 =	sne.s32 s5, $0x4F;
	v35 =	vld.idx.msk [tilespmem:v34+s10+$0x0], $0xffff;
	v36 =	vmov v30  }
0x1e6: {  	v30 =	vmul.f32 v21, v24;
	v37 =	vmul.f32 v23, v26;
	s3 =	sadd.s32 $0x80, s3;
	v34 =	vld.idx.msk [tilespmem:v34+s9+$0x0], $0xffff  }
0x1e7: {  	v38 =	vmul.f32 v22, v25;
	v39 =	vmul.f32 v36, v27;
	v24 =	vld [tilespmem:s3+$0xFFFFFFC0]  }
0x1e8: {  	v41 =	vmul.f32 v18, v28;
	v29 =	vmul.f32 v19, v29;
	v26 =	vld [tilespmem:s3+$0xFFFFFFD0]  }
0x1e9: {  	v31 =	vmul.f32 v20, v31;
	v25 =	vld [tilespmem:s3+$0xFFFFFFE0];
	v32 =	vmul.f32 v33, v32;
	v28, _, _ =	vpop (xrf2)  }
0x1ea: {  	v30 =	vadd.f32 v37, v30;
	v37 =	vadd.f32 v39, v38;
	v27 =	vld [tilespmem:s3+$0xFFFFFFF0];
	v38 =	vbroadcast v28, $0xF  }
0x1eb: {  	v39 =	vadd.f32 v29, v41;
	v28 =	vld [tilespmem:s3+$0x0];
	v32 =	vadd.f32 v32, v31;
	v40 =	vpop (erf)  }
0x1ec: {  	v29 =	vld [tilespmem:s3+$0x10];
	v34 =	vmul.f32 v38, v34;
	v38 =	vmul.f32 v40, v3;
	v41 =	vnsel vm0, $0x0, v40;
	v3 =	vmovc v16;
	v16 =	vmovc v33  }
0x1ed: {  	v30 =	vadd.f32 v37, v30;
	v37 =	vmul.f32 v40, v2;
	v2 =	vmovc v17;
	v31 =	vld [tilespmem:s3+$0x20];
	v33 =	vadd.f32 v32, v39  }
0x1ee: {  	s17 =	sadd.s32 $0x80, s17;
	v42 =	vmul.f32 v40, v15;
	v1 =	vadd.f32 v41, v1;
	v32 =	vld [tilespmem:s3+$0x30];
	v34 =	vmul.f32 v34, v35;
	[tilespmem:s8+$0x30] =	vst v38  }
0x1ef: {  	v43 =	vmul.f32 v40, v14;
	v41 =	vmul.f32 v40, v12;
	v35 =	vld [tilespmem:s17+$0xFFFFFFC0];
	v30 =	vadd.f32 v33, v30;
	[tilespmem:s8+$0xFFFFFFC0] =	vst v37  }
0x1f0: {  	v17 =	vmovc v21;
	v38 =	vmul.f32 v40, v13;
	v33 =	vld [tilespmem:s17+$0xFFFFFFD0];
	v37 =	vadd.f32 $-1.000000000e+00, v34;
	[tilespmem:s8+$0xFFFFFFD0] =	vst v42;
	v42 =	vmul.f32 v40, v11  }
0x1f1: {  	v15 =	vmovc v5;
	v5 =	vmov v23;
	v40 =	vmul.f32 v40, v9;
	v39 =	vld [tilespmem:s17+$0xFFFFFFE0];
	(xrf2) =	vadd.scan.msk.f32 $0xffff, v30;
	[tilespmem:s8+$0xFFFFFFE0] =	vst v41  }
.Ltmp5:
0x1f2: {  	v14 =	vmovc v10;
	v12 =	vmovc v6;
	v6 =	vmov v22;
	v34 =	vmov s2;
	s2 =	smov.u32 s5;
	v30 =	vld [tilespmem:s17+$0xFFFFFFF0];
	v37 =	vmul.f32 $1.442695020e+00, v37;
	[tilespmem:s8+$0xFFFFFFF0] =	vst v43;
	(pc) =	sbr.rel @p0 .LBB2_11-.Ltmp5, $4  }
0x1f3: {  	v10 =	vmovc v36;
	v13 =	vmovc v7;
	v7 =	vmov v19;
	v11 =	vmov v8;
	v8 =	vmov v18;
	[tilespmem:s8+$0x0] =	vst v42;
	v18 =	vld [tilespmem:s17+$0x0]  }
0x1f4: {  	v9 =	vmovc v4;
	v4 =	vmov v20;
	v19 =	vld [tilespmem:s17+$0x10];
	(erf) = vpow2.f32 v37;
	[tilespmem:s8+$0x10] =	vst v38;
	v21 =	vmov v35  }
0x1f5: {  	v20 =	vld [tilespmem:s17+$0x20];
	[tilespmem:s8+$0x20] =	vst v40;
	v23 =	vmov v33;
	s8 =	smov.u32 s13;
	s13 =	smov.u32 s22;
	s22 =	smov.u32 s17  }
0x1f6: {  	s5 =	sadd.s32 $0x1, s5;
	v33 =	vld [tilespmem:s17+$0x30];
	v22 =	vmov v39  }
0x1f7: {  	_ = 	snop  }
0x1f8: {  	v24 =	vmul.f32 v21, v24;
	v26 =	vmul.f32 v23, v26  }
0x1f9: {  	v25 =	vmul.f32 v22, v25;
	v27 =	vmul.f32 v30, v27  }
0x1fa: {  	v28 =	vmul.f32 v18, v28;
	v29 =	vmul.f32 v19, v29  }
0x1fb: {  	v31 =	vmul.f32 v20, v31;
	v32 =	vmul.f32 v33, v32  }
0x1fc: {  	v24 =	vadd.f32 v26, v24;
	v25 =	vadd.f32 v27, v25  }
0x1fd: {  	v40 =	vadd.f32 v29, v28;
	v41 =	vadd.f32 v32, v31;
	_ =	sdelay $0x1  }
0x1fe: {  	v24 =	vadd.f32 v25, v24;
	v42 =	vadd.f32 v41, v40;
	_ =	sdelay $0x1  }
0x1ff: {  	v24 =	vadd.f32 v42, v24;
	_ =	sdelay $0x1  }
0x200: {  	(xrf2) =	vadd.scan.msk.f32 $0xffff, v24  }
0x201: {  	v43 =	vld.idx.msk [tilespmem:v34+s9+$0x0], $0xffff;
	_ =	sdelay $0x1  }
0x202: {  	v45 =	vld.idx.msk [tilespmem:v34+s10+$0x0], $0xffff;
	v46 =	vmov s2;
	v44, _, _ =	vpop (xrf2)  }
0x203: {  	v24 =	vbroadcast v44, $0xF;
	_ =	sdelay $0x1  }
0x204: {  	v24 =	vmul.f32 v24, v43;
	_ =	sdelay $0x1  }
0x205: {  	v47 =	vld.idx.msk [tilespmem:v46+s9+$0x0], $0xffff;
	v24 =	vmul.f32 v24, v45;
	_ =	sdelay $0x1  }
0x206: {  	v48 =	vld.idx.msk [tilespmem:v46+s10+$0x0], $0xffff;
	v24 =	vadd.f32 $-1.000000000e+00, v24;
	v49, _, _ =	vpop (xrf2)  }
0x207: {  	v27 =	vbroadcast v49, $0xF  }
0x208: {  	v24 =	vmul.f32 $1.442695020e+00, v24  }
0x209: {  	v50 =	vmul.f32 v27, v47  }
0x20a: {  	v51 =	vpop (erf);
	(erf) = vpow2.f32 v24  }
0x20b: {  	v3 =	vmul.f32 v51, v3;
	v24 =	vmul.f32 v50, v48;
	_ =	sdelay $0x1  }
0x20c: {  	v2 =	vmul.f32 v51, v2;
	[tilespmem:s8+$0x30] =	vst v3;
	v3 =	vadd.f32 $-1.000000000e+00, v24  }
0x20d: {  	v15 =	vmul.f32 v51, v15  }
0x20e: {  	v52 =	vmul.f32 v51, v14;
	[tilespmem:s8+$0xFFFFFFC0] =	vst v2;
	v3 =	vmul.f32 $1.442695020e+00, v3  }
0x20f: {  	v2 =	vmul.f32 v51, v12;
	[tilespmem:s8+$0xFFFFFFD0] =	vst v15  }
0x210: {  	v11 =	vmul.f32 v51, v11;
	[tilespmem:s8+$0xFFFFFFF0] =	vst v52  }
0x211: {  	[tilespmem:s8+$0xFFFFFFE0] =	vst v2;
	v2 =	vmul.f32 v51, v13;
	(erf) = vpow2.f32 v3  }
0x212: {  	v9 =	vmul.f32 v51, v9;
	[tilespmem:s8+$0x0] =	vst v11;
	v3 =	vpop (erf)  }
0x213: {  	[tilespmem:s8+$0x10] =	vst v2;
	v2 =	vmul.f32 v3, v16  }
0x214: {  	[tilespmem:s8+$0x20] =	vst v9;
	v53 =	vmul.f32 v3, v17  }
0x215: {  	v5 =	vmul.f32 v3, v5;
	[tilespmem:s13+$0x30] =	vst v2  }
0x216: {  	v54 =	vmul.f32 v3, v10;
	[tilespmem:s13+$0xFFFFFFC0] =	vst v53  }
0x217: {  	v2 =	vmul.f32 v3, v6;
	[tilespmem:s13+$0xFFFFFFD0] =	vst v5  }
0x218: {  	v55 =	vmul.f32 v3, v8;
	[tilespmem:s13+$0xFFFFFFF0] =	vst v54  }
0x219: {  	[tilespmem:s13+$0xFFFFFFE0] =	vst v2;
	v2 =	vmul.f32 v3, v7  }
0x21a: {  	v4 =	vmul.f32 v3, v4;
	[tilespmem:s13+$0x0] =	vst v55;
	v56 =	vpop (erf)  }
0x21b: {  	[tilespmem:s13+$0x10] =	vst v2;
	v2 =	vmul.f32 v56, v33  }
0x21c: {  	[tilespmem:s13+$0x20] =	vst v4;
	v57 =	vmul.f32 v56, v21  }
0x21d: {  	v58 =	vmul.f32 v56, v23;
	[tilespmem:s22+$0x30] =	vst v2  }
0x21e: {  	v59 =	vmul.f32 v56, v30;
	[tilespmem:s22+$0xFFFFFFC0] =	vst v57  }
0x21f: {  	v60 =	vmul.f32 v56, v18;
	[tilespmem:s22+$0xFFFFFFD0] =	vst v58  }
0x220: {  	v2 =	vmul.f32 v56, v22;
	[tilespmem:s22+$0xFFFFFFF0] =	vst v59  }
0x221: {  	v61 =	vmul.f32 v56, v20;
	[tilespmem:s22+$0x0] =	vst v60  }
0x222: {  	[tilespmem:s22+$0xFFFFFFE0] =	vst v2;
	v2 =	vmul.f32 v56, v19  }
0x223: {  	[tilespmem:s22+$0x20] =	vst v61  }
0x224: {  	[tilespmem:s22+$0x10] =	vst v2  }
0x225: {  	v2 =	vld [tilespmem:$0x0]  }
0x226: {  	v4 =	vld [tilespmem:$0x10]  }
0x227: {  	v6 =	vld [tilespmem:$0x20]  }
0x228: {  	v62 =	vld [tilespmem:$0x30]  }
0x229: {  	v63 =	vld [tilespmem:$0x40]  }
0x22a: {  	[tilespmem:$0xA400] =	vst v2  }
0x22b: {  	[tilespmem:$0xA410] =	vst v4  }
0x22c: {  	[tilespmem:$0xA420] =	vst v6  }
0x22d: {  	[tilespmem:$0xA430] =	vst v62  }
0x22e: {  	s3 =	simm.s32 $0xA400;
	[tilespmem:$0xA440] =	vst v63  }
0x22f: {  	v2 =	vnsel vm0, $0x0, v51;
	[spmem:s4] =	stream.indirect.scatter.add.f32 [tilespmem:s25], [sflag:$0x5], $0x80, s3, s0, $0xb8;
	[tilespmem:$0x1E580] =	vst v63  }
0x230: {  	v1 =	vadd.f32 v2, v1;
	_ =	swait.ge [sflag:s19], $0x2800  }
0x231: {  	v2 =	vnsel vm0, $0x0, v3;
	[sflag:s19] =	ssyncset.done $0x0  }
0x232: {  	s5 =	simm.s32 $0x6;
	v1 =	vadd.f32 v2, v1;
	[sflag:s19] =	ssyncadd.s32 $0xFFFFD800  }
0x233: {  	v2 =	vnsel vm0, $0x0, v56;
	_ =	swait.ge [sflag:s5], $0x2800  }
0x234: {  	v1 =	vadd.f32 v2, v1;
	[sflag:s5] =	ssyncset.done $0x0  }
0x235: {  	[sflag:s5] =	ssyncadd.s32 $0xFFFFD800  }
0x236: {  	s8 =	simm.s32 $0x0;
	s3 =	rddreg [dreg:$0x12];
	s5 =	simm.s32 $0xA500;
	[tilespmem:$0xA500] =	vst v1  }
0x237: {  	[hbm4b:s3+s8] =	stream.linear.scatter [tilespmem:s5], [sflag:$0x7], $0x80, $0x38;
	[tilespmem:$0x1E580] =	vst v63  }
0x238: {  	s8 =	simm.s32 $0x7  }
0x239: {  	_ =	swait.ge [sflag:s8], $0x80  }
0x23a: {  	[sflag:s8] =	ssyncset.done $0x0  }
0x23b: {  	[sflag:s8] =	ssyncadd.s32 $0xFFFFFF80  }
0x23c: {  	s13 =	stileid.u32;
	[bflag:$0x0] =	sbarrier.arrive $0xFFFF  }
0x23d: {  	s2 =	sshll.u32 s13, $0x6;
	s13 =	rddreg [dreg:$0x5]  }
0x23e: {  	s2 =	sor.u32 $0x1C07, s2;
	s22 =	rddreg [dreg:$0x13];
	s17 =	sshrl.u32 s13, $0x3  }
0x23f: {  	[hbm:s22], [sflag:s2] =	dma.local [spmem:s17], $0x2800  }
0x240: {  	_ =	swait.ge [sflag:s8], $0x2800  }
0x241: {  	s24 =	rddreg [dreg:$0x15]  }
0x242: {  	s26 =	rddreg [dreg:$0x14];
	s3 =	sadd.s32 $0x1, s24  }
0x243: {  	p0 =	sne.s32 s3, s26  }
.Ltmp6:
0x244: {  	_ = 	snop;
	(pc) =	sbr.rel @p0 .LBB2_1-.Ltmp6, $3  }
0x245: {  	_ =	sdelay $0x1  }
0x246: {  	[sflag:s8] =	ssyncset.done $0x0  }
0x247: {  	[sflag:s8] =	ssyncadd.s32 $0xFFFFD800  }
0x248: {  	_ =	sfence.sel $0x180000  }
0x249: {  	[bflag:$0x0] =	sbarrier.arrive $0xFFFF  }
0x24a: {  	_ =	strace $0x90000047  }
0x24b: {  	s0 =	stileid.u32;
	[bflag:$0x2] =	sbarrier.arrive $0xFFFF  }
0x24c: {  	p0 =	sne.s32 s0, $0x0;
	s0 =	rddreg [dreg:$0x4]  }
0x24d: {  	s0 =	sadd.s32 @!p0 $0x100000, s0  }
0x24e: {  	[sflag:s0] =	ssyncadd.tile.s32 @!p0 $0x1;
	_ =	shalt  }
.Lfunc_end2:
_tile_overlayer_lowered:
.L_overlay_start_2:
0x24f: {  	(tag) =	ssettag $0x2  }
0x250: {  	s0 =	rddreg [dreg:$0x0];
	s2 =	stileid.u32  }
0x251: {  	s1 =	rddreg [dreg:$0x1];
	p0 =	sne.s32 s2, $0x0  }
0x252: {  	s3 =	rddreg [dreg:$0x2];
	[bflag:$0x3] =	sbarrier.arrive $0xFFFF;
	s2 =	simm.s32 @!p0 $0x1C07  }
0x253: {  	[timem:s3], [sflag:s2] =	dma.local @!p0 [hbm:s0], s1  }
0x254: {  	s0 =	simm.s32 @!p0 $0x7  }
0x255: {  	_ =	swait.ge @!p0 [sflag:s0], s1  }
0x256: {  	s1 =	ssub.s32 @!p0 $0x0, s1;
	[sflag:s0] =	ssyncset.done @!p0 $0x0  }
0x257: {  	[sflag:s0] =	ssyncadd.s32 @!p0 s1  }
0x258: {  	[bflag:$0x3] =	sbarrier.arrive $0xFFFF  }
0x259: {  	_ =	shalt  }

</sc_bundles>
